<compile_context>
chip_gen: v7x
topology: tpu7x:2x2x1
jax: 0.10.2.dev20260603
libtpu: 0.0.44.dev20260713+nightly
codegen_flags: <defaults>
</compile_context>

<pallas_src>
import functools

import jax
import jax.numpy as jnp
from jax import lax
from jax.experimental import pallas as pl
from jax.experimental.pallas import tpu as pltpu
from jax.experimental.pallas import tpu_sc as plsc

VOCAB = 100000
D = 128
B = 16384
NC, NS, L = 2, 16, 16
NW = NC * NS
BPW = B // NW
CHUNK = 128
NCHUNK = BPW // CHUNK

_mesh = plsc.VectorSubcoreMesh(
    core_axis_name="c", subcore_axis_name="s", num_cores=NC, num_subcores=NS
)


@functools.partial(
    pl.kernel,
    out_type=jax.ShapeDtypeStruct((NW, NCHUNK, CHUNK, D), jnp.float32),
    mesh=_mesh,
    scratch_types=[
        pltpu.VMEM((BPW,), jnp.int32),
        pltpu.VMEM((NCHUNK, CHUNK), jnp.int32),
        pltpu.VMEM((NCHUNK, CHUNK, D), jnp.float32),
        pltpu.SemaphoreType.DMA((NCHUNK,)),
        pltpu.SemaphoreType.DMA,
    ],
)
def _gather_kernel(label_hbm, table_hbm, out_hbm, lbl_v, idx_v, rows_v, gsem, osem):
    wid = lax.axis_index("s") * NC + lax.axis_index("c")
    pltpu.sync_copy(label_hbm.at[pl.ds(wid * BPW, BPW)], lbl_v)
    for j in range(NCHUNK):
        for i in range(CHUNK // L):
            v = lbl_v[pl.ds(j * CHUNK + i * L, L)]
            idx_v[j, pl.ds(i * L, L)] = v * 2 + 1
    gathers = [
        pltpu.async_copy(table_hbm.at[idx_v.at[j]], rows_v.at[j], gsem.at[j])
        for j in range(NCHUNK)
    ]
    outs = []
    for j in range(NCHUNK):
        gathers[j].wait()
        outs.append(pltpu.async_copy(rows_v.at[j], out_hbm.at[wid, j], osem))
    for c in outs:
        c.wait()


def kernel(label, text_vectors):
    table = text_vectors.reshape(2 * VOCAB, D)
    out = _gather_kernel(label.astype(jnp.int32), table)
    return out.reshape(B, 1, D)

# --- scband reference (transcript-rebuilt; emitter-appended) ---
"""Pipeline reference for scband-text-adapter-45569603011049 (READ-ONLY COPY).

The authoritative reference and input builder live on the scoring server;
editing this copy changes nothing except your own understanding.
"""

import jax, jax.numpy as jnp
import numpy as np

VOCAB = 100000
EMBED_DIM = 128
BATCH = 16384

def setup_inputs(seed: int = 0) -> dict:
    key = jax.random.key(seed)
    k1, k2 = jax.random.split(key)
    label = jax.random.randint(k1, (BATCH,), 0, VOCAB, dtype=jnp.int64 if jax.config.jax_enable_x64 else jnp.int32)
    # text_vectors parameter loaded from file in the torch module: shape [num_tokens, 2, embed_dim]
    text_vectors = jax.random.normal(k2, (VOCAB, 2, EMBED_DIM), dtype=jnp.float32)
    return {"label": label, "text_vectors": text_vectors}

def reference(label, text_vectors):
    # TextAdapter.forward, non-image_caption branch, 1-D label, one_way_semantics=True:
    #   text_embedding = self.text_vectors[:, 1]
    #   text_embedding = text_embedding[label.long()][:, None, :]
    B = label.shape[0]
    pos_vectors = text_vectors[:, 1]                # [vocab, embed_dim]
    text_embedding = jnp.take(pos_vectors, label, axis=0)[:, None, :]  # [B, 1, embed_dim]
    # embed_dim matches init embed_dim (128), so no zero replacement branch taken.
    # Return the 'tokens' entry of adapter_output_text (the only tensor output).
    return text_embedding

if __name__ == "__main__":
    import jax
    _d = setup_inputs()
    print(jax.jit(kernel)(*tuple(_d.values())))

</pallas_src>

<mosaic_0001>
#map = affine_map<(d0, d1) -> (0)>
#map1 = affine_map<(d0, d1) -> (0, 0)>
#map2 = affine_map<(d0, d1) -> (0, 0, 0, 0)>
module attributes {stable_mosaic.version = 14 : i64} {
  func.func @_gather_kernel(%arg0: i32, %arg1: i32, %arg2: memref<16384xi32, #tpu.memory_space<hbm>>, %arg3: memref<200000x128xf32, #tpu.memory_space<hbm>>, %arg4: memref<32x4x128x128xf32, #tpu.memory_space<hbm>>, %arg5: memref<512xi32, #tpu.memory_space<vmem>>, %arg6: memref<4x128xi32, #tpu.memory_space<vmem>>, %arg7: memref<4x128x128xf32, #tpu.memory_space<vmem>>, %arg8: memref<4x!tpu.dma_semaphore, #tpu.memory_space<semaphore_mem>>, %arg9: memref<!tpu.dma_semaphore, #tpu.memory_space<semaphore_mem>>) attributes {dimension_semantics = [#tpu.dimension_semantics<core_parallel>, #tpu.dimension_semantics<subcore_parallel>], iteration_bounds = array<i64: 2, 16>, scalar_prefetch = 0 : i64, scratch_operands = 5 : i64, tpu.core_type = #tpu.core_type<sc_vector_subcore>, window_params = [{transform_indices = #map}, {transform_indices = #map1}, {transform_indices = #map2}]} {
    %mul3A = arith.constant 2 : i32
    %mul3A_0 = arith.muli %arg1, %mul3A : i32
    %add3A = arith.addi %mul3A_0, %arg0 : i32
    %mul3A_1 = arith.constant 512 : i32
    %mul3A_2 = arith.muli %add3A, %mul3A_1 : i32
    "tpu.region"() ({
      %run_scoped3A = tpu.sem_alloc : memref<!tpu.dma_semaphore, #tpu.memory_space<semaphore_mem>>
      %dma_start3A_743 = tpu.memref_slice %arg2[%mul3A_2] : memref<16384xi32, #tpu.memory_space<hbm>> -> memref<512xi32, #tpu.memory_space<hbm>>
      %dma_start3A_744 = tpu.memref_slice %arg2[%mul3A_2] : memref<16384xi32, #tpu.memory_space<hbm>> -> memref<512xi32, #tpu.memory_space<hbm>>
      tpu.enqueue_dma source(%dma_start3A_744 : memref<512xi32, #tpu.memory_space<hbm>>) target(%arg5 : memref<512xi32, #tpu.memory_space<vmem>>) target_semaphore(%run_scoped3A : memref<!tpu.dma_semaphore, #tpu.memory_space<semaphore_mem>>)
      %dma_wait3A_745 = tpu.memref_slice %arg2[%mul3A_2] : memref<16384xi32, #tpu.memory_space<hbm>> -> memref<512xi32, #tpu.memory_space<hbm>>
      %dma_wait3A_746 = tpu.memref_slice %arg2[%mul3A_2] : memref<16384xi32, #tpu.memory_space<hbm>> -> memref<512xi32, #tpu.memory_space<hbm>>
      tpu.wait_dma2 semaphore(%run_scoped3A : memref<!tpu.dma_semaphore, #tpu.memory_space<semaphore_mem>>) src(%dma_wait3A_746 : memref<512xi32, #tpu.memory_space<hbm>>) dst(%arg5 : memref<512xi32, #tpu.memory_space<vmem>>)
      tpu.yield
    }) : () -> ()
    %get3A = arith.constant 0 : index
    %get3A_3 = tpu.vector_load %arg5[%get3A] {strides = array<i32>} : memref<512xi32, #tpu.memory_space<vmem>>, vector<16xi32>,
    %get3A_4 = vector.shape_cast %get3A_3 : vector<16xi32> to vector<16xi32>
    %mul3A_5 = arith.constant 2 : i32
    %mul3A_6 = vector.broadcast %mul3A_5 : i32 to vector<16xi32>
    %mul3A_7 = arith.muli %get3A_4, %mul3A_6 : vector<16xi32>
    %add3A_8 = arith.constant 1 : i32
    %add3A_9 = vector.broadcast %add3A_8 : i32 to vector<16xi32>
    %add3A_10 = arith.addi %mul3A_7, %add3A_9 : vector<16xi32>
    %swap3A = arith.constant 0 : i32
    %swap3A_11 = arith.index_cast %swap3A : i32 to index
    %swap3A_12 = arith.constant 0 : index
    %swap3A_13 = tpu.vector_load %arg6[%swap3A_11, %swap3A_12] {strides = array<i32>} : memref<4x128xi32, #tpu.memory_space<vmem>>, vector<1x16xi32>,
    %swap3A_14 = vector.shape_cast %swap3A_13 : vector<1x16xi32> to vector<16xi32>
    %swap3A_15 = vector.shape_cast %add3A_10 : vector<16xi32> to vector<1x16xi32>
    tpu.vector_store %arg6[%swap3A_11, %swap3A_12], %swap3A_15 {strides = array<i32>} : memref<4x128xi32, #tpu.memory_space<vmem>>, vector<1x16xi32>,
    %get3A_16 = arith.constant 16 : index
    %get3A_17 = tpu.vector_load %arg5[%get3A_16] {strides = array<i32>} : memref<512xi32, #tpu.memory_space<vmem>>, vector<16xi32>,
    %get3A_18 = vector.shape_cast %get3A_17 : vector<16xi32> to vector<16xi32>
    %mul3A_19 = arith.constant 2 : i32
    %mul3A_20 = vector.broadcast %mul3A_19 : i32 to vector<16xi32>
    %mul3A_21 = arith.muli %get3A_18, %mul3A_20 : vector<16xi32>
    %add3A_22 = arith.constant 1 : i32
    %add3A_23 = vector.broadcast %add3A_22 : i32 to vector<16xi32>
    %add3A_24 = arith.addi %mul3A_21, %add3A_23 : vector<16xi32>
    %swap3A_25 = arith.constant 0 : i32
    %swap3A_26 = arith.index_cast %swap3A_25 : i32 to index
    %swap3A_27 = arith.constant 16 : index
    %swap3A_28 = tpu.vector_load %arg6[%swap3A_26, %swap3A_27] {strides = array<i32>} : memref<4x128xi32, #tpu.memory_space<vmem>>, vector<1x16xi32>,
    %swap3A_29 = vector.shape_cast %swap3A_28 : vector<1x16xi32> to vector<16xi32>
    %swap3A_30 = vector.shape_cast %add3A_24 : vector<16xi32> to vector<1x16xi32>
    tpu.vector_store %arg6[%swap3A_26, %swap3A_27], %swap3A_30 {strides = array<i32>} : memref<4x128xi32, #tpu.memory_space<vmem>>, vector<1x16xi32>,
    %get3A_31 = arith.constant 32 : index
    %get3A_32 = tpu.vector_load %arg5[%get3A_31] {strides = array<i32>} : memref<512xi32, #tpu.memory_space<vmem>>, vector<16xi32>,
    %get3A_33 = vector.shape_cast %get3A_32 : vector<16xi32> to vector<16xi32>
    %mul3A_34 = arith.constant 2 : i32
    %mul3A_35 = vector.broadcast %mul3A_34 : i32 to vector<16xi32>
    %mul3A_36 = arith.muli %get3A_33, %mul3A_35 : vector<16xi32>
    %add3A_37 = arith.constant 1 : i32
    %add3A_38 = vector.broadcast %add3A_37 : i32 to vector<16xi32>
    %add3A_39 = arith.addi %mul3A_36, %add3A_38 : vector<16xi32>
    %swap3A_40 = arith.constant 0 : i32
    %swap3A_41 = arith.index_cast %swap3A_40 : i32 to index
    %swap3A_42 = arith.constant 32 : index
    %swap3A_43 = tpu.vector_load %arg6[%swap3A_41, %swap3A_42] {strides = array<i32>} : memref<4x128xi32, #tpu.memory_space<vmem>>, vector<1x16xi32>,
    %swap3A_44 = vector.shape_cast %swap3A_43 : vector<1x16xi32> to vector<16xi32>
    %swap3A_45 = vector.shape_cast %add3A_39 : vector<16xi32> to vector<1x16xi32>
    tpu.vector_store %arg6[%swap3A_41, %swap3A_42], %swap3A_45 {strides = array<i32>} : memref<4x128xi32, #tpu.memory_space<vmem>>, vector<1x16xi32>,
    %get3A_46 = arith.constant 48 : index
    %get3A_47 = tpu.vector_load %arg5[%get3A_46] {strides = array<i32>} : memref<512xi32, #tpu.memory_space<vmem>>, vector<16xi32>,
    %get3A_48 = vector.shape_cast %get3A_47 : vector<16xi32> to vector<16xi32>
    %mul3A_49 = arith.constant 2 : i32
    %mul3A_50 = vector.broadcast %mul3A_49 : i32 to vector<16xi32>
    %mul3A_51 = arith.muli %get3A_48, %mul3A_50 : vector<16xi32>
    %add3A_52 = arith.constant 1 : i32
    %add3A_53 = vector.broadcast %add3A_52 : i32 to vector<16xi32>
    %add3A_54 = arith.addi %mul3A_51, %add3A_53 : vector<16xi32>
    %swap3A_55 = arith.constant 0 : i32
    %swap3A_56 = arith.index_cast %swap3A_55 : i32 to index
    %swap3A_57 = arith.constant 48 : index
    %swap3A_58 = tpu.vector_load %arg6[%swap3A_56, %swap3A_57] {strides = array<i32>} : memref<4x128xi32, #tpu.memory_space<vmem>>, vector<1x16xi32>,
    %swap3A_59 = vector.shape_cast %swap3A_58 : vector<1x16xi32> to vector<16xi32>
    %swap3A_60 = vector.shape_cast %add3A_54 : vector<16xi32> to vector<1x16xi32>
    tpu.vector_store %arg6[%swap3A_56, %swap3A_57], %swap3A_60 {strides = array<i32>} : memref<4x128xi32, #tpu.memory_space<vmem>>, vector<1x16xi32>,
    %get3A_61 = arith.constant 64 : index
    %get3A_62 = tpu.vector_load %arg5[%get3A_61] {strides = array<i32>} : memref<512xi32, #tpu.memory_space<vmem>>, vector<16xi32>,
    %get3A_63 = vector.shape_cast %get3A_62 : vector<16xi32> to vector<16xi32>
    %mul3A_64 = arith.constant 2 : i32
    %mul3A_65 = vector.broadcast %mul3A_64 : i32 to vector<16xi32>
    %mul3A_66 = arith.muli %get3A_63, %mul3A_65 : vector<16xi32>
    %add3A_67 = arith.constant 1 : i32
    %add3A_68 = vector.broadcast %add3A_67 : i32 to vector<16xi32>
    %add3A_69 = arith.addi %mul3A_66, %add3A_68 : vector<16xi32>
    %swap3A_70 = arith.constant 0 : i32
    %swap3A_71 = arith.index_cast %swap3A_70 : i32 to index
    %swap3A_72 = arith.constant 64 : index
    %swap3A_73 = tpu.vector_load %arg6[%swap3A_71, %swap3A_72] {strides = array<i32>} : memref<4x128xi32, #tpu.memory_space<vmem>>, vector<1x16xi32>,
    %swap3A_74 = vector.shape_cast %swap3A_73 : vector<1x16xi32> to vector<16xi32>
    %swap3A_75 = vector.shape_cast %add3A_69 : vector<16xi32> to vector<1x16xi32>
    tpu.vector_store %arg6[%swap3A_71, %swap3A_72], %swap3A_75 {strides = array<i32>} : memref<4x128xi32, #tpu.memory_space<vmem>>, vector<1x16xi32>,
    %get3A_76 = arith.constant 80 : index
    %get3A_77 = tpu.vector_load %arg5[%get3A_76] {strides = array<i32>} : memref<512xi32, #tpu.memory_space<vmem>>, vector<16xi32>,
    %get3A_78 = vector.shape_cast %get3A_77 : vector<16xi32> to vector<16xi32>
    %mul3A_79 = arith.constant 2 : i32
    %mul3A_80 = vector.broadcast %mul3A_79 : i32 to vector<16xi32>
    %mul3A_81 = arith.muli %get3A_78, %mul3A_80 : vector<16xi32>
    %add3A_82 = arith.constant 1 : i32
    %add3A_83 = vector.broadcast %add3A_82 : i32 to vector<16xi32>
    %add3A_84 = arith.addi %mul3A_81, %add3A_83 : vector<16xi32>
    %swap3A_85 = arith.constant 0 : i32
    %swap3A_86 = arith.index_cast %swap3A_85 : i32 to index
    %swap3A_87 = arith.constant 80 : index
    %swap3A_88 = tpu.vector_load %arg6[%swap3A_86, %swap3A_87] {strides = array<i32>} : memref<4x128xi32, #tpu.memory_space<vmem>>, vector<1x16xi32>,
    %swap3A_89 = vector.shape_cast %swap3A_88 : vector<1x16xi32> to vector<16xi32>
    %swap3A_90 = vector.shape_cast %add3A_84 : vector<16xi32> to vector<1x16xi32>
    tpu.vector_store %arg6[%swap3A_86, %swap3A_87], %swap3A_90 {strides = array<i32>} : memref<4x128xi32, #tpu.memory_space<vmem>>, vector<1x16xi32>,
    %get3A_91 = arith.constant 96 : index
    %get3A_92 = tpu.vector_load %arg5[%get3A_91] {strides = array<i32>} : memref<512xi32, #tpu.memory_space<vmem>>, vector<16xi32>,
    %get3A_93 = vector.shape_cast %get3A_92 : vector<16xi32> to vector<16xi32>
    %mul3A_94 = arith.constant 2 : i32
    %mul3A_95 = vector.broadcast %mul3A_94 : i32 to vector<16xi32>
    %mul3A_96 = arith.muli %get3A_93, %mul3A_95 : vector<16xi32>
    %add3A_97 = arith.constant 1 : i32
    %add3A_98 = vector.broadcast %add3A_97 : i32 to vector<16xi32>
    %add3A_99 = arith.addi %mul3A_96, %add3A_98 : vector<16xi32>
    %swap3A_100 = arith.constant 0 : i32
    %swap3A_101 = arith.index_cast %swap3A_100 : i32 to index
    %swap3A_102 = arith.constant 96 : index
    %swap3A_103 = tpu.vector_load %arg6[%swap3A_101, %swap3A_102] {strides = array<i32>} : memref<4x128xi32, #tpu.memory_space<vmem>>, vector<1x16xi32>,
    %swap3A_104 = vector.shape_cast %swap3A_103 : vector<1x16xi32> to vector<16xi32>
    %swap3A_105 = vector.shape_cast %add3A_99 : vector<16xi32> to vector<1x16xi32>
    tpu.vector_store %arg6[%swap3A_101, %swap3A_102], %swap3A_105 {strides = array<i32>} : memref<4x128xi32, #tpu.memory_space<vmem>>, vector<1x16xi32>,
    %get3A_106 = arith.constant 112 : index
    %get3A_107 = tpu.vector_load %arg5[%get3A_106] {strides = array<i32>} : memref<512xi32, #tpu.memory_space<vmem>>, vector<16xi32>,
    %get3A_108 = vector.shape_cast %get3A_107 : vector<16xi32> to vector<16xi32>
    %mul3A_109 = arith.constant 2 : i32
    %mul3A_110 = vector.broadcast %mul3A_109 : i32 to vector<16xi32>
    %mul3A_111 = arith.muli %get3A_108, %mul3A_110 : vector<16xi32>
    %add3A_112 = arith.constant 1 : i32
    %add3A_113 = vector.broadcast %add3A_112 : i32 to vector<16xi32>
    %add3A_114 = arith.addi %mul3A_111, %add3A_113 : vector<16xi32>
    %swap3A_115 = arith.constant 0 : i32
    %swap3A_116 = arith.index_cast %swap3A_115 : i32 to index
    %swap3A_117 = arith.constant 112 : index
    %swap3A_118 = tpu.vector_load %arg6[%swap3A_116, %swap3A_117] {strides = array<i32>} : memref<4x128xi32, #tpu.memory_space<vmem>>, vector<1x16xi32>,
    %swap3A_119 = vector.shape_cast %swap3A_118 : vector<1x16xi32> to vector<16xi32>
    %swap3A_120 = vector.shape_cast %add3A_114 : vector<16xi32> to vector<1x16xi32>
    tpu.vector_store %arg6[%swap3A_116, %swap3A_117], %swap3A_120 {strides = array<i32>} : memref<4x128xi32, #tpu.memory_space<vmem>>, vector<1x16xi32>,
    %get3A_121 = arith.constant 128 : index
    %get3A_122 = tpu.vector_load %arg5[%get3A_121] {strides = array<i32>} : memref<512xi32, #tpu.memory_space<vmem>>, vector<16xi32>,
    %get3A_123 = vector.shape_cast %get3A_122 : vector<16xi32> to vector<16xi32>
    %mul3A_124 = arith.constant 2 : i32
    %mul3A_125 = vector.broadcast %mul3A_124 : i32 to vector<16xi32>
    %mul3A_126 = arith.muli %get3A_123, %mul3A_125 : vector<16xi32>
    %add3A_127 = arith.constant 1 : i32
    %add3A_128 = vector.broadcast %add3A_127 : i32 to vector<16xi32>
    %add3A_129 = arith.addi %mul3A_126, %add3A_128 : vector<16xi32>
    %swap3A_130 = arith.constant 1 : i32
    %swap3A_131 = arith.index_cast %swap3A_130 : i32 to index
    %swap3A_132 = arith.constant 0 : index
    %swap3A_133 = tpu.vector_load %arg6[%swap3A_131, %swap3A_132] {strides = array<i32>} : memref<4x128xi32, #tpu.memory_space<vmem>>, vector<1x16xi32>,
    %swap3A_134 = vector.shape_cast %swap3A_133 : vector<1x16xi32> to vector<16xi32>
    %swap3A_135 = vector.shape_cast %add3A_129 : vector<16xi32> to vector<1x16xi32>
    tpu.vector_store %arg6[%swap3A_131, %swap3A_132], %swap3A_135 {strides = array<i32>} : memref<4x128xi32, #tpu.memory_space<vmem>>, vector<1x16xi32>,
    %get3A_136 = arith.constant 144 : index
    %get3A_137 = tpu.vector_load %arg5[%get3A_136] {strides = array<i32>} : memref<512xi32, #tpu.memory_space<vmem>>, vector<16xi32>,
    %get3A_138 = vector.shape_cast %get3A_137 : vector<16xi32> to vector<16xi32>
    %mul3A_139 = arith.constant 2 : i32
    %mul3A_140 = vector.broadcast %mul3A_139 : i32 to vector<16xi32>
    %mul3A_141 = arith.muli %get3A_138, %mul3A_140 : vector<16xi32>
    %add3A_142 = arith.constant 1 : i32
    %add3A_143 = vector.broadcast %add3A_142 : i32 to vector<16xi32>
    %add3A_144 = arith.addi %mul3A_141, %add3A_143 : vector<16xi32>
    %swap3A_145 = arith.constant 1 : i32
    %swap3A_146 = arith.index_cast %swap3A_145 : i32 to index
    %swap3A_147 = arith.constant 16 : index
    %swap3A_148 = tpu.vector_load %arg6[%swap3A_146, %swap3A_147] {strides = array<i32>} : memref<4x128xi32, #tpu.memory_space<vmem>>, vector<1x16xi32>,
    %swap3A_149 = vector.shape_cast %swap3A_148 : vector<1x16xi32> to vector<16xi32>
    %swap3A_150 = vector.shape_cast %add3A_144 : vector<16xi32> to vector<1x16xi32>
    tpu.vector_store %arg6[%swap3A_146, %swap3A_147], %swap3A_150 {strides = array<i32>} : memref<4x128xi32, #tpu.memory_space<vmem>>, vector<1x16xi32>,
    %get3A_151 = arith.constant 160 : index
    %get3A_152 = tpu.vector_load %arg5[%get3A_151] {strides = array<i32>} : memref<512xi32, #tpu.memory_space<vmem>>, vector<16xi32>,
    %get3A_153 = vector.shape_cast %get3A_152 : vector<16xi32> to vector<16xi32>
    %mul3A_154 = arith.constant 2 : i32
    %mul3A_155 = vector.broadcast %mul3A_154 : i32 to vector<16xi32>
    %mul3A_156 = arith.muli %get3A_153, %mul3A_155 : vector<16xi32>
    %add3A_157 = arith.constant 1 : i32
    %add3A_158 = vector.broadcast %add3A_157 : i32 to vector<16xi32>
    %add3A_159 = arith.addi %mul3A_156, %add3A_158 : vector<16xi32>
    %swap3A_160 = arith.constant 1 : i32
    %swap3A_161 = arith.index_cast %swap3A_160 : i32 to index
    %swap3A_162 = arith.constant 32 : index
    %swap3A_163 = tpu.vector_load %arg6[%swap3A_161, %swap3A_162] {strides = array<i32>} : memref<4x128xi32, #tpu.memory_space<vmem>>, vector<1x16xi32>,
    %swap3A_164 = vector.shape_cast %swap3A_163 : vector<1x16xi32> to vector<16xi32>
    %swap3A_165 = vector.shape_cast %add3A_159 : vector<16xi32> to vector<1x16xi32>
    tpu.vector_store %arg6[%swap3A_161, %swap3A_162], %swap3A_165 {strides = array<i32>} : memref<4x128xi32, #tpu.memory_space<vmem>>, vector<1x16xi32>,
    %get3A_166 = arith.constant 176 : index
    %get3A_167 = tpu.vector_load %arg5[%get3A_166] {strides = array<i32>} : memref<512xi32, #tpu.memory_space<vmem>>, vector<16xi32>,
    %get3A_168 = vector.shape_cast %get3A_167 : vector<16xi32> to vector<16xi32>
    %mul3A_169 = arith.constant 2 : i32
    %mul3A_170 = vector.broadcast %mul3A_169 : i32 to vector<16xi32>
    %mul3A_171 = arith.muli %get3A_168, %mul3A_170 : vector<16xi32>
    %add3A_172 = arith.constant 1 : i32
    %add3A_173 = vector.broadcast %add3A_172 : i32 to vector<16xi32>
    %add3A_174 = arith.addi %mul3A_171, %add3A_173 : vector<16xi32>
    %swap3A_175 = arith.constant 1 : i32
    %swap3A_176 = arith.index_cast %swap3A_175 : i32 to index
    %swap3A_177 = arith.constant 48 : index
    %swap3A_178 = tpu.vector_load %arg6[%swap3A_176, %swap3A_177] {strides = array<i32>} : memref<4x128xi32, #tpu.memory_space<vmem>>, vector<1x16xi32>,
    %swap3A_179 = vector.shape_cast %swap3A_178 : vector<1x16xi32> to vector<16xi32>
    %swap3A_180 = vector.shape_cast %add3A_174 : vector<16xi32> to vector<1x16xi32>
    tpu.vector_store %arg6[%swap3A_176, %swap3A_177], %swap3A_180 {strides = array<i32>} : memref<4x128xi32, #tpu.memory_space<vmem>>, vector<1x16xi32>,
    %get3A_181 = arith.constant 192 : index
    %get3A_182 = tpu.vector_load %arg5[%get3A_181] {strides = array<i32>} : memref<512xi32, #tpu.memory_space<vmem>>, vector<16xi32>,
    %get3A_183 = vector.shape_cast %get3A_182 : vector<16xi32> to vector<16xi32>
    %mul3A_184 = arith.constant 2 : i32
    %mul3A_185 = vector.broadcast %mul3A_184 : i32 to vector<16xi32>
    %mul3A_186 = arith.muli %get3A_183, %mul3A_185 : vector<16xi32>
    %add3A_187 = arith.constant 1 : i32
    %add3A_188 = vector.broadcast %add3A_187 : i32 to vector<16xi32>
    %add3A_189 = arith.addi %mul3A_186, %add3A_188 : vector<16xi32>
    %swap3A_190 = arith.constant 1 : i32
    %swap3A_191 = arith.index_cast %swap3A_190 : i32 to index
    %swap3A_192 = arith.constant 64 : index
    %swap3A_193 = tpu.vector_load %arg6[%swap3A_191, %swap3A_192] {strides = array<i32>} : memref<4x128xi32, #tpu.memory_space<vmem>>, vector<1x16xi32>,
    %swap3A_194 = vector.shape_cast %swap3A_193 : vector<1x16xi32> to vector<16xi32>
    %swap3A_195 = vector.shape_cast %add3A_189 : vector<16xi32> to vector<1x16xi32>
    tpu.vector_store %arg6[%swap3A_191, %swap3A_192], %swap3A_195 {strides = array<i32>} : memref<4x128xi32, #tpu.memory_space<vmem>>, vector<1x16xi32>,
    %get3A_196 = arith.constant 208 : index
    %get3A_197 = tpu.vector_load %arg5[%get3A_196] {strides = array<i32>} : memref<512xi32, #tpu.memory_space<vmem>>, vector<16xi32>,
    %get3A_198 = vector.shape_cast %get3A_197 : vector<16xi32> to vector<16xi32>
    %mul3A_199 = arith.constant 2 : i32
    %mul3A_200 = vector.broadcast %mul3A_199 : i32 to vector<16xi32>
    %mul3A_201 = arith.muli %get3A_198, %mul3A_200 : vector<16xi32>
    %add3A_202 = arith.constant 1 : i32
    %add3A_203 = vector.broadcast %add3A_202 : i32 to vector<16xi32>
    %add3A_204 = arith.addi %mul3A_201, %add3A_203 : vector<16xi32>
    %swap3A_205 = arith.constant 1 : i32
    %swap3A_206 = arith.index_cast %swap3A_205 : i32 to index
    %swap3A_207 = arith.constant 80 : index
    %swap3A_208 = tpu.vector_load %arg6[%swap3A_206, %swap3A_207] {strides = array<i32>} : memref<4x128xi32, #tpu.memory_space<vmem>>, vector<1x16xi32>,
    %swap3A_209 = vector.shape_cast %swap3A_208 : vector<1x16xi32> to vector<16xi32>
    %swap3A_210 = vector.shape_cast %add3A_204 : vector<16xi32> to vector<1x16xi32>
    tpu.vector_store %arg6[%swap3A_206, %swap3A_207], %swap3A_210 {strides = array<i32>} : memref<4x128xi32, #tpu.memory_space<vmem>>, vector<1x16xi32>,
    %get3A_211 = arith.constant 224 : index
    %get3A_212 = tpu.vector_load %arg5[%get3A_211] {strides = array<i32>} : memref<512xi32, #tpu.memory_space<vmem>>, vector<16xi32>,
    %get3A_213 = vector.shape_cast %get3A_212 : vector<16xi32> to vector<16xi32>
    %mul3A_214 = arith.constant 2 : i32
    %mul3A_215 = vector.broadcast %mul3A_214 : i32 to vector<16xi32>
    %mul3A_216 = arith.muli %get3A_213, %mul3A_215 : vector<16xi32>
    %add3A_217 = arith.constant 1 : i32
    %add3A_218 = vector.broadcast %add3A_217 : i32 to vector<16xi32>
    %add3A_219 = arith.addi %mul3A_216, %add3A_218 : vector<16xi32>
    %swap3A_220 = arith.constant 1 : i32
    %swap3A_221 = arith.index_cast %swap3A_220 : i32 to index
    %swap3A_222 = arith.constant 96 : index
    %swap3A_223 = tpu.vector_load %arg6[%swap3A_221, %swap3A_222] {strides = array<i32>} : memref<4x128xi32, #tpu.memory_space<vmem>>, vector<1x16xi32>,
    %swap3A_224 = vector.shape_cast %swap3A_223 : vector<1x16xi32> to vector<16xi32>
    %swap3A_225 = vector.shape_cast %add3A_219 : vector<16xi32> to vector<1x16xi32>
    tpu.vector_store %arg6[%swap3A_221, %swap3A_222], %swap3A_225 {strides = array<i32>} : memref<4x128xi32, #tpu.memory_space<vmem>>, vector<1x16xi32>,
    %get3A_226 = arith.constant 240 : index
    %get3A_227 = tpu.vector_load %arg5[%get3A_226] {strides = array<i32>} : memref<512xi32, #tpu.memory_space<vmem>>, vector<16xi32>,
    %get3A_228 = vector.shape_cast %get3A_227 : vector<16xi32> to vector<16xi32>
    %mul3A_229 = arith.constant 2 : i32
    %mul3A_230 = vector.broadcast %mul3A_229 : i32 to vector<16xi32>
    %mul3A_231 = arith.muli %get3A_228, %mul3A_230 : vector<16xi32>
    %add3A_232 = arith.constant 1 : i32
    %add3A_233 = vector.broadcast %add3A_232 : i32 to vector<16xi32>
    %add3A_234 = arith.addi %mul3A_231, %add3A_233 : vector<16xi32>
    %swap3A_235 = arith.constant 1 : i32
    %swap3A_236 = arith.index_cast %swap3A_235 : i32 to index
    %swap3A_237 = arith.constant 112 : index
    %swap3A_238 = tpu.vector_load %arg6[%swap3A_236, %swap3A_237] {strides = array<i32>} : memref<4x128xi32, #tpu.memory_space<vmem>>, vector<1x16xi32>,
    %swap3A_239 = vector.shape_cast %swap3A_238 : vector<1x16xi32> to vector<16xi32>
    %swap3A_240 = vector.shape_cast %add3A_234 : vector<16xi32> to vector<1x16xi32>
    tpu.vector_store %arg6[%swap3A_236, %swap3A_237], %swap3A_240 {strides = array<i32>} : memref<4x128xi32, #tpu.memory_space<vmem>>, vector<1x16xi32>,
    %get3A_241 = arith.constant 256 : index
    %get3A_242 = tpu.vector_load %arg5[%get3A_241] {strides = array<i32>} : memref<512xi32, #tpu.memory_space<vmem>>, vector<16xi32>,
    %get3A_243 = vector.shape_cast %get3A_242 : vector<16xi32> to vector<16xi32>
    %mul3A_244 = arith.constant 2 : i32
    %mul3A_245 = vector.broadcast %mul3A_244 : i32 to vector<16xi32>
    %mul3A_246 = arith.muli %get3A_243, %mul3A_245 : vector<16xi32>
    %add3A_247 = arith.constant 1 : i32
    %add3A_248 = vector.broadcast %add3A_247 : i32 to vector<16xi32>
    %add3A_249 = arith.addi %mul3A_246, %add3A_248 : vector<16xi32>
    %swap3A_250 = arith.constant 2 : i32
    %swap3A_251 = arith.index_cast %swap3A_250 : i32 to index
    %swap3A_252 = arith.constant 0 : index
    %swap3A_253 = tpu.vector_load %arg6[%swap3A_251, %swap3A_252] {strides = array<i32>} : memref<4x128xi32, #tpu.memory_space<vmem>>, vector<1x16xi32>,
    %swap3A_254 = vector.shape_cast %swap3A_253 : vector<1x16xi32> to vector<16xi32>
    %swap3A_255 = vector.shape_cast %add3A_249 : vector<16xi32> to vector<1x16xi32>
    tpu.vector_store %arg6[%swap3A_251, %swap3A_252], %swap3A_255 {strides = array<i32>} : memref<4x128xi32, #tpu.memory_space<vmem>>, vector<1x16xi32>,
    %get3A_256 = arith.constant 272 : index
    %get3A_257 = tpu.vector_load %arg5[%get3A_256] {strides = array<i32>} : memref<512xi32, #tpu.memory_space<vmem>>, vector<16xi32>,
    %get3A_258 = vector.shape_cast %get3A_257 : vector<16xi32> to vector<16xi32>
    %mul3A_259 = arith.constant 2 : i32
    %mul3A_260 = vector.broadcast %mul3A_259 : i32 to vector<16xi32>
    %mul3A_261 = arith.muli %get3A_258, %mul3A_260 : vector<16xi32>
    %add3A_262 = arith.constant 1 : i32
    %add3A_263 = vector.broadcast %add3A_262 : i32 to vector<16xi32>
    %add3A_264 = arith.addi %mul3A_261, %add3A_263 : vector<16xi32>
    %swap3A_265 = arith.constant 2 : i32
    %swap3A_266 = arith.index_cast %swap3A_265 : i32 to index
    %swap3A_267 = arith.constant 16 : index
    %swap3A_268 = tpu.vector_load %arg6[%swap3A_266, %swap3A_267] {strides = array<i32>} : memref<4x128xi32, #tpu.memory_space<vmem>>, vector<1x16xi32>,
    %swap3A_269 = vector.shape_cast %swap3A_268 : vector<1x16xi32> to vector<16xi32>
    %swap3A_270 = vector.shape_cast %add3A_264 : vector<16xi32> to vector<1x16xi32>
    tpu.vector_store %arg6[%swap3A_266, %swap3A_267], %swap3A_270 {strides = array<i32>} : memref<4x128xi32, #tpu.memory_space<vmem>>, vector<1x16xi32>,
    %get3A_271 = arith.constant 288 : index
    %get3A_272 = tpu.vector_load %arg5[%get3A_271] {strides = array<i32>} : memref<512xi32, #tpu.memory_space<vmem>>, vector<16xi32>,
    %get3A_273 = vector.shape_cast %get3A_272 : vector<16xi32> to vector<16xi32>
    %mul3A_274 = arith.constant 2 : i32
    %mul3A_275 = vector.broadcast %mul3A_274 : i32 to vector<16xi32>
    %mul3A_276 = arith.muli %get3A_273, %mul3A_275 : vector<16xi32>
    %add3A_277 = arith.constant 1 : i32
    %add3A_278 = vector.broadcast %add3A_277 : i32 to vector<16xi32>
    %add3A_279 = arith.addi %mul3A_276, %add3A_278 : vector<16xi32>
    %swap3A_280 = arith.constant 2 : i32
    %swap3A_281 = arith.index_cast %swap3A_280 : i32 to index
    %swap3A_282 = arith.constant 32 : index
    %swap3A_283 = tpu.vector_load %arg6[%swap3A_281, %swap3A_282] {strides = array<i32>} : memref<4x128xi32, #tpu.memory_space<vmem>>, vector<1x16xi32>,
    %swap3A_284 = vector.shape_cast %swap3A_283 : vector<1x16xi32> to vector<16xi32>
    %swap3A_285 = vector.shape_cast %add3A_279 : vector<16xi32> to vector<1x16xi32>
    tpu.vector_store %arg6[%swap3A_281, %swap3A_282], %swap3A_285 {strides = array<i32>} : memref<4x128xi32, #tpu.memory_space<vmem>>, vector<1x16xi32>,
    %get3A_286 = arith.constant 304 : index
    %get3A_287 = tpu.vector_load %arg5[%get3A_286] {strides = array<i32>} : memref<512xi32, #tpu.memory_space<vmem>>, vector<16xi32>,
    %get3A_288 = vector.shape_cast %get3A_287 : vector<16xi32> to vector<16xi32>
    %mul3A_289 = arith.constant 2 : i32
    %mul3A_290 = vector.broadcast %mul3A_289 : i32 to vector<16xi32>
    %mul3A_291 = arith.muli %get3A_288, %mul3A_290 : vector<16xi32>
    %add3A_292 = arith.constant 1 : i32
    %add3A_293 = vector.broadcast %add3A_292 : i32 to vector<16xi32>
    %add3A_294 = arith.addi %mul3A_291, %add3A_293 : vector<16xi32>
    %swap3A_295 = arith.constant 2 : i32
    %swap3A_296 = arith.index_cast %swap3A_295 : i32 to index
    %swap3A_297 = arith.constant 48 : index
    %swap3A_298 = tpu.vector_load %arg6[%swap3A_296, %swap3A_297] {strides = array<i32>} : memref<4x128xi32, #tpu.memory_space<vmem>>, vector<1x16xi32>,
    %swap3A_299 = vector.shape_cast %swap3A_298 : vector<1x16xi32> to vector<16xi32>
    %swap3A_300 = vector.shape_cast %add3A_294 : vector<16xi32> to vector<1x16xi32>
    tpu.vector_store %arg6[%swap3A_296, %swap3A_297], %swap3A_300 {strides = array<i32>} : memref<4x128xi32, #tpu.memory_space<vmem>>, vector<1x16xi32>,
    %get3A_301 = arith.constant 320 : index
    %get3A_302 = tpu.vector_load %arg5[%get3A_301] {strides = array<i32>} : memref<512xi32, #tpu.memory_space<vmem>>, vector<16xi32>,
    %get3A_303 = vector.shape_cast %get3A_302 : vector<16xi32> to vector<16xi32>
    %mul3A_304 = arith.constant 2 : i32
    %mul3A_305 = vector.broadcast %mul3A_304 : i32 to vector<16xi32>
    %mul3A_306 = arith.muli %get3A_303, %mul3A_305 : vector<16xi32>
    %add3A_307 = arith.constant 1 : i32
    %add3A_308 = vector.broadcast %add3A_307 : i32 to vector<16xi32>
    %add3A_309 = arith.addi %mul3A_306, %add3A_308 : vector<16xi32>
    %swap3A_310 = arith.constant 2 : i32
    %swap3A_311 = arith.index_cast %swap3A_310 : i32 to index
    %swap3A_312 = arith.constant 64 : index
    %swap3A_313 = tpu.vector_load %arg6[%swap3A_311, %swap3A_312] {strides = array<i32>} : memref<4x128xi32, #tpu.memory_space<vmem>>, vector<1x16xi32>,
    %swap3A_314 = vector.shape_cast %swap3A_313 : vector<1x16xi32> to vector<16xi32>
    %swap3A_315 = vector.shape_cast %add3A_309 : vector<16xi32> to vector<1x16xi32>
    tpu.vector_store %arg6[%swap3A_311, %swap3A_312], %swap3A_315 {strides = array<i32>} : memref<4x128xi32, #tpu.memory_space<vmem>>, vector<1x16xi32>,
    %get3A_316 = arith.constant 336 : index
    %get3A_317 = tpu.vector_load %arg5[%get3A_316] {strides = array<i32>} : memref<512xi32, #tpu.memory_space<vmem>>, vector<16xi32>,
    %get3A_318 = vector.shape_cast %get3A_317 : vector<16xi32> to vector<16xi32>
    %mul3A_319 = arith.constant 2 : i32
    %mul3A_320 = vector.broadcast %mul3A_319 : i32 to vector<16xi32>
    %mul3A_321 = arith.muli %get3A_318, %mul3A_320 : vector<16xi32>
    %add3A_322 = arith.constant 1 : i32
    %add3A_323 = vector.broadcast %add3A_322 : i32 to vector<16xi32>
    %add3A_324 = arith.addi %mul3A_321, %add3A_323 : vector<16xi32>
    %swap3A_325 = arith.constant 2 : i32
    %swap3A_326 = arith.index_cast %swap3A_325 : i32 to index
    %swap3A_327 = arith.constant 80 : index
    %swap3A_328 = tpu.vector_load %arg6[%swap3A_326, %swap3A_327] {strides = array<i32>} : memref<4x128xi32, #tpu.memory_space<vmem>>, vector<1x16xi32>,
    %swap3A_329 = vector.shape_cast %swap3A_328 : vector<1x16xi32> to vector<16xi32>
    %swap3A_330 = vector.shape_cast %add3A_324 : vector<16xi32> to vector<1x16xi32>
    tpu.vector_store %arg6[%swap3A_326, %swap3A_327], %swap3A_330 {strides = array<i32>} : memref<4x128xi32, #tpu.memory_space<vmem>>, vector<1x16xi32>,
    %get3A_331 = arith.constant 352 : index
    %get3A_332 = tpu.vector_load %arg5[%get3A_331] {strides = array<i32>} : memref<512xi32, #tpu.memory_space<vmem>>, vector<16xi32>,
    %get3A_333 = vector.shape_cast %get3A_332 : vector<16xi32> to vector<16xi32>
    %mul3A_334 = arith.constant 2 : i32
    %mul3A_335 = vector.broadcast %mul3A_334 : i32 to vector<16xi32>
    %mul3A_336 = arith.muli %get3A_333, %mul3A_335 : vector<16xi32>
    %add3A_337 = arith.constant 1 : i32
    %add3A_338 = vector.broadcast %add3A_337 : i32 to vector<16xi32>
    %add3A_339 = arith.addi %mul3A_336, %add3A_338 : vector<16xi32>
    %swap3A_340 = arith.constant 2 : i32
    %swap3A_341 = arith.index_cast %swap3A_340 : i32 to index
    %swap3A_342 = arith.constant 96 : index
    %swap3A_343 = tpu.vector_load %arg6[%swap3A_341, %swap3A_342] {strides = array<i32>} : memref<4x128xi32, #tpu.memory_space<vmem>>, vector<1x16xi32>,
    %swap3A_344 = vector.shape_cast %swap3A_343 : vector<1x16xi32> to vector<16xi32>
    %swap3A_345 = vector.shape_cast %add3A_339 : vector<16xi32> to vector<1x16xi32>
    tpu.vector_store %arg6[%swap3A_341, %swap3A_342], %swap3A_345 {strides = array<i32>} : memref<4x128xi32, #tpu.memory_space<vmem>>, vector<1x16xi32>,
    %get3A_346 = arith.constant 368 : index
    %get3A_347 = tpu.vector_load %arg5[%get3A_346] {strides = array<i32>} : memref<512xi32, #tpu.memory_space<vmem>>, vector<16xi32>,
    %get3A_348 = vector.shape_cast %get3A_347 : vector<16xi32> to vector<16xi32>
    %mul3A_349 = arith.constant 2 : i32
    %mul3A_350 = vector.broadcast %mul3A_349 : i32 to vector<16xi32>
    %mul3A_351 = arith.muli %get3A_348, %mul3A_350 : vector<16xi32>
    %add3A_352 = arith.constant 1 : i32
    %add3A_353 = vector.broadcast %add3A_352 : i32 to vector<16xi32>
    %add3A_354 = arith.addi %mul3A_351, %add3A_353 : vector<16xi32>
    %swap3A_355 = arith.constant 2 : i32
    %swap3A_356 = arith.index_cast %swap3A_355 : i32 to index
    %swap3A_357 = arith.constant 112 : index
    %swap3A_358 = tpu.vector_load %arg6[%swap3A_356, %swap3A_357] {strides = array<i32>} : memref<4x128xi32, #tpu.memory_space<vmem>>, vector<1x16xi32>,
    %swap3A_359 = vector.shape_cast %swap3A_358 : vector<1x16xi32> to vector<16xi32>
    %swap3A_360 = vector.shape_cast %add3A_354 : vector<16xi32> to vector<1x16xi32>
    tpu.vector_store %arg6[%swap3A_356, %swap3A_357], %swap3A_360 {strides = array<i32>} : memref<4x128xi32, #tpu.memory_space<vmem>>, vector<1x16xi32>,
    %get3A_361 = arith.constant 384 : index
    %get3A_362 = tpu.vector_load %arg5[%get3A_361] {strides = array<i32>} : memref<512xi32, #tpu.memory_space<vmem>>, vector<16xi32>,
    %get3A_363 = vector.shape_cast %get3A_362 : vector<16xi32> to vector<16xi32>
    %mul3A_364 = arith.constant 2 : i32
    %mul3A_365 = vector.broadcast %mul3A_364 : i32 to vector<16xi32>
    %mul3A_366 = arith.muli %get3A_363, %mul3A_365 : vector<16xi32>
    %add3A_367 = arith.constant 1 : i32
    %add3A_368 = vector.broadcast %add3A_367 : i32 to vector<16xi32>
    %add3A_369 = arith.addi %mul3A_366, %add3A_368 : vector<16xi32>
    %swap3A_370 = arith.constant 3 : i32
    %swap3A_371 = arith.index_cast %swap3A_370 : i32 to index
    %swap3A_372 = arith.constant 0 : index
    %swap3A_373 = tpu.vector_load %arg6[%swap3A_371, %swap3A_372] {strides = array<i32>} : memref<4x128xi32, #tpu.memory_space<vmem>>, vector<1x16xi32>,
    %swap3A_374 = vector.shape_cast %swap3A_373 : vector<1x16xi32> to vector<16xi32>
    %swap3A_375 = vector.shape_cast %add3A_369 : vector<16xi32> to vector<1x16xi32>
    tpu.vector_store %arg6[%swap3A_371, %swap3A_372], %swap3A_375 {strides = array<i32>} : memref<4x128xi32, #tpu.memory_space<vmem>>, vector<1x16xi32>,
    %get3A_376 = arith.constant 400 : index
    %get3A_377 = tpu.vector_load %arg5[%get3A_376] {strides = array<i32>} : memref<512xi32, #tpu.memory_space<vmem>>, vector<16xi32>,
    %get3A_378 = vector.shape_cast %get3A_377 : vector<16xi32> to vector<16xi32>
    %mul3A_379 = arith.constant 2 : i32
    %mul3A_380 = vector.broadcast %mul3A_379 : i32 to vector<16xi32>
    %mul3A_381 = arith.muli %get3A_378, %mul3A_380 : vector<16xi32>
    %add3A_382 = arith.constant 1 : i32
    %add3A_383 = vector.broadcast %add3A_382 : i32 to vector<16xi32>
    %add3A_384 = arith.addi %mul3A_381, %add3A_383 : vector<16xi32>
    %swap3A_385 = arith.constant 3 : i32
    %swap3A_386 = arith.index_cast %swap3A_385 : i32 to index
    %swap3A_387 = arith.constant 16 : index
    %swap3A_388 = tpu.vector_load %arg6[%swap3A_386, %swap3A_387] {strides = array<i32>} : memref<4x128xi32, #tpu.memory_space<vmem>>, vector<1x16xi32>,
    %swap3A_389 = vector.shape_cast %swap3A_388 : vector<1x16xi32> to vector<16xi32>
    %swap3A_390 = vector.shape_cast %add3A_384 : vector<16xi32> to vector<1x16xi32>
    tpu.vector_store %arg6[%swap3A_386, %swap3A_387], %swap3A_390 {strides = array<i32>} : memref<4x128xi32, #tpu.memory_space<vmem>>, vector<1x16xi32>,
    %get3A_391 = arith.constant 416 : index
    %get3A_392 = tpu.vector_load %arg5[%get3A_391] {strides = array<i32>} : memref<512xi32, #tpu.memory_space<vmem>>, vector<16xi32>,
    %get3A_393 = vector.shape_cast %get3A_392 : vector<16xi32> to vector<16xi32>
    %mul3A_394 = arith.constant 2 : i32
    %mul3A_395 = vector.broadcast %mul3A_394 : i32 to vector<16xi32>
    %mul3A_396 = arith.muli %get3A_393, %mul3A_395 : vector<16xi32>
    %add3A_397 = arith.constant 1 : i32
    %add3A_398 = vector.broadcast %add3A_397 : i32 to vector<16xi32>
    %add3A_399 = arith.addi %mul3A_396, %add3A_398 : vector<16xi32>
    %swap3A_400 = arith.constant 3 : i32
    %swap3A_401 = arith.index_cast %swap3A_400 : i32 to index
    %swap3A_402 = arith.constant 32 : index
    %swap3A_403 = tpu.vector_load %arg6[%swap3A_401, %swap3A_402] {strides = array<i32>} : memref<4x128xi32, #tpu.memory_space<vmem>>, vector<1x16xi32>,
    %swap3A_404 = vector.shape_cast %swap3A_403 : vector<1x16xi32> to vector<16xi32>
    %swap3A_405 = vector.shape_cast %add3A_399 : vector<16xi32> to vector<1x16xi32>
    tpu.vector_store %arg6[%swap3A_401, %swap3A_402], %swap3A_405 {strides = array<i32>} : memref<4x128xi32, #tpu.memory_space<vmem>>, vector<1x16xi32>,
    %get3A_406 = arith.constant 432 : index
    %get3A_407 = tpu.vector_load %arg5[%get3A_406] {strides = array<i32>} : memref<512xi32, #tpu.memory_space<vmem>>, vector<16xi32>,
    %get3A_408 = vector.shape_cast %get3A_407 : vector<16xi32> to vector<16xi32>
    %mul3A_409 = arith.constant 2 : i32
    %mul3A_410 = vector.broadcast %mul3A_409 : i32 to vector<16xi32>
    %mul3A_411 = arith.muli %get3A_408, %mul3A_410 : vector<16xi32>
    %add3A_412 = arith.constant 1 : i32
    %add3A_413 = vector.broadcast %add3A_412 : i32 to vector<16xi32>
    %add3A_414 = arith.addi %mul3A_411, %add3A_413 : vector<16xi32>
    %swap3A_415 = arith.constant 3 : i32
    %swap3A_416 = arith.index_cast %swap3A_415 : i32 to index
    %swap3A_417 = arith.constant 48 : index
    %swap3A_418 = tpu.vector_load %arg6[%swap3A_416, %swap3A_417] {strides = array<i32>} : memref<4x128xi32, #tpu.memory_space<vmem>>, vector<1x16xi32>,
    %swap3A_419 = vector.shape_cast %swap3A_418 : vector<1x16xi32> to vector<16xi32>
    %swap3A_420 = vector.shape_cast %add3A_414 : vector<16xi32> to vector<1x16xi32>
    tpu.vector_store %arg6[%swap3A_416, %swap3A_417], %swap3A_420 {strides = array<i32>} : memref<4x128xi32, #tpu.memory_space<vmem>>, vector<1x16xi32>,
    %get3A_421 = arith.constant 448 : index
    %get3A_422 = tpu.vector_load %arg5[%get3A_421] {strides = array<i32>} : memref<512xi32, #tpu.memory_space<vmem>>, vector<16xi32>,
    %get3A_423 = vector.shape_cast %get3A_422 : vector<16xi32> to vector<16xi32>
    %mul3A_424 = arith.constant 2 : i32
    %mul3A_425 = vector.broadcast %mul3A_424 : i32 to vector<16xi32>
    %mul3A_426 = arith.muli %get3A_423, %mul3A_425 : vector<16xi32>
    %add3A_427 = arith.constant 1 : i32
    %add3A_428 = vector.broadcast %add3A_427 : i32 to vector<16xi32>
    %add3A_429 = arith.addi %mul3A_426, %add3A_428 : vector<16xi32>
    %swap3A_430 = arith.constant 3 : i32
    %swap3A_431 = arith.index_cast %swap3A_430 : i32 to index
    %swap3A_432 = arith.constant 64 : index
    %swap3A_433 = tpu.vector_load %arg6[%swap3A_431, %swap3A_432] {strides = array<i32>} : memref<4x128xi32, #tpu.memory_space<vmem>>, vector<1x16xi32>,
    %swap3A_434 = vector.shape_cast %swap3A_433 : vector<1x16xi32> to vector<16xi32>
    %swap3A_435 = vector.shape_cast %add3A_429 : vector<16xi32> to vector<1x16xi32>
    tpu.vector_store %arg6[%swap3A_431, %swap3A_432], %swap3A_435 {strides = array<i32>} : memref<4x128xi32, #tpu.memory_space<vmem>>, vector<1x16xi32>,
    %get3A_436 = arith.constant 464 : index
    %get3A_437 = tpu.vector_load %arg5[%get3A_436] {strides = array<i32>} : memref<512xi32, #tpu.memory_space<vmem>>, vector<16xi32>,
    %get3A_438 = vector.shape_cast %get3A_437 : vector<16xi32> to vector<16xi32>
    %mul3A_439 = arith.constant 2 : i32
    %mul3A_440 = vector.broadcast %mul3A_439 : i32 to vector<16xi32>
    %mul3A_441 = arith.muli %get3A_438, %mul3A_440 : vector<16xi32>
    %add3A_442 = arith.constant 1 : i32
    %add3A_443 = vector.broadcast %add3A_442 : i32 to vector<16xi32>
    %add3A_444 = arith.addi %mul3A_441, %add3A_443 : vector<16xi32>
    %swap3A_445 = arith.constant 3 : i32
    %swap3A_446 = arith.index_cast %swap3A_445 : i32 to index
    %swap3A_447 = arith.constant 80 : index
    %swap3A_448 = tpu.vector_load %arg6[%swap3A_446, %swap3A_447] {strides = array<i32>} : memref<4x128xi32, #tpu.memory_space<vmem>>, vector<1x16xi32>,
    %swap3A_449 = vector.shape_cast %swap3A_448 : vector<1x16xi32> to vector<16xi32>
    %swap3A_450 = vector.shape_cast %add3A_444 : vector<16xi32> to vector<1x16xi32>
    tpu.vector_store %arg6[%swap3A_446, %swap3A_447], %swap3A_450 {strides = array<i32>} : memref<4x128xi32, #tpu.memory_space<vmem>>, vector<1x16xi32>,
    %get3A_451 = arith.constant 480 : index
    %get3A_452 = tpu.vector_load %arg5[%get3A_451] {strides = array<i32>} : memref<512xi32, #tpu.memory_space<vmem>>, vector<16xi32>,
    %get3A_453 = vector.shape_cast %get3A_452 : vector<16xi32> to vector<16xi32>
    %mul3A_454 = arith.constant 2 : i32
    %mul3A_455 = vector.broadcast %mul3A_454 : i32 to vector<16xi32>
    %mul3A_456 = arith.muli %get3A_453, %mul3A_455 : vector<16xi32>
    %add3A_457 = arith.constant 1 : i32
    %add3A_458 = vector.broadcast %add3A_457 : i32 to vector<16xi32>
    %add3A_459 = arith.addi %mul3A_456, %add3A_458 : vector<16xi32>
    %swap3A_460 = arith.constant 3 : i32
    %swap3A_461 = arith.index_cast %swap3A_460 : i32 to index
    %swap3A_462 = arith.constant 96 : index
    %swap3A_463 = tpu.vector_load %arg6[%swap3A_461, %swap3A_462] {strides = array<i32>} : memref<4x128xi32, #tpu.memory_space<vmem>>, vector<1x16xi32>,
    %swap3A_464 = vector.shape_cast %swap3A_463 : vector<1x16xi32> to vector<16xi32>
    %swap3A_465 = vector.shape_cast %add3A_459 : vector<16xi32> to vector<1x16xi32>
    tpu.vector_store %arg6[%swap3A_461, %swap3A_462], %swap3A_465 {strides = array<i32>} : memref<4x128xi32, #tpu.memory_space<vmem>>, vector<1x16xi32>,
    %get3A_466 = arith.constant 496 : index
    %get3A_467 = tpu.vector_load %arg5[%get3A_466] {strides = array<i32>} : memref<512xi32, #tpu.memory_space<vmem>>, vector<16xi32>,
    %get3A_468 = vector.shape_cast %get3A_467 : vector<16xi32> to vector<16xi32>
    %mul3A_469 = arith.constant 2 : i32
    %mul3A_470 = vector.broadcast %mul3A_469 : i32 to vector<16xi32>
    %mul3A_471 = arith.muli %get3A_468, %mul3A_470 : vector<16xi32>
    %add3A_472 = arith.constant 1 : i32
    %add3A_473 = vector.broadcast %add3A_472 : i32 to vector<16xi32>
    %add3A_474 = arith.addi %mul3A_471, %add3A_473 : vector<16xi32>
    %swap3A_475 = arith.constant 3 : i32
    %swap3A_476 = arith.index_cast %swap3A_475 : i32 to index
    %swap3A_477 = arith.constant 112 : index
    %swap3A_478 = tpu.vector_load %arg6[%swap3A_476, %swap3A_477] {strides = array<i32>} : memref<4x128xi32, #tpu.memory_space<vmem>>, vector<1x16xi32>,
    %swap3A_479 = vector.shape_cast %swap3A_478 : vector<1x16xi32> to vector<16xi32>
    %swap3A_480 = vector.shape_cast %add3A_474 : vector<16xi32> to vector<1x16xi32>
    tpu.vector_store %arg6[%swap3A_476, %swap3A_477], %swap3A_480 {strides = array<i32>} : memref<4x128xi32, #tpu.memory_space<vmem>>, vector<1x16xi32>,
    %dma_start3A = arith.constant 0 : i32
    %dma_start3A_481 = arith.constant 0 : i32
    %dma_start3A_482 = arith.constant 0 : i32
    %dma_start3A_483 = arith.constant 0 : i32
    %dma_start3A_484 = arith.constant 0 : i32
    %dma_start3A_485 = tpu.memref_slice %arg7[%dma_start3A_481, %dma_start3A_483, %dma_start3A_484] : memref<4x128x128xf32, #tpu.memory_space<vmem>> -> memref<1x128x128xf32, #tpu.memory_space<vmem>>
    %dma_start3A_486 = tpu.memref_squeeze %dma_start3A_485 : memref<1x128x128xf32, #tpu.memory_space<vmem>> -> memref<128x128xf32, #tpu.memory_space<vmem>>
    %dma_start3A_487 = arith.constant 0 : i32
    %dma_start3A_488 = tpu.memref_slice %arg6[%dma_start3A, %dma_start3A_487] : memref<4x128xi32, #tpu.memory_space<vmem>> -> memref<1x128xi32, #tpu.memory_space<vmem>>
    %dma_start3A_489 = tpu.memref_squeeze %dma_start3A_488 : memref<1x128xi32, #tpu.memory_space<vmem>> -> memref<128xi32, #tpu.memory_space<vmem>>
    %dma_start3A_490 = arith.constant 0 : i32
    %dma_start3A_491 = arith.constant 0 : i32
    %dma_start3A_492 = tpu.memref_slice %arg3[%dma_start3A_490, %dma_start3A_491] : memref<200000x128xf32, #tpu.memory_space<hbm>> -> memref<200000x128xf32, #tpu.memory_space<hbm>>
    %dma_start3A_493 = tpu.memref_slice %arg8[%dma_start3A_482] : memref<4x!tpu.dma_semaphore, #tpu.memory_space<semaphore_mem>> -> memref<1x!tpu.dma_semaphore, #tpu.memory_space<semaphore_mem>>
    %dma_start3A_494 = tpu.memref_squeeze %dma_start3A_493 : memref<1x!tpu.dma_semaphore, #tpu.memory_space<semaphore_mem>> -> memref<!tpu.dma_semaphore, #tpu.memory_space<semaphore_mem>>
    tpu.enqueue_indirect_dma source(%dma_start3A_492 : memref<200000x128xf32, #tpu.memory_space<hbm>>) target(%dma_start3A_486 : memref<128x128xf32, #tpu.memory_space<vmem>>) offsets(%dma_start3A_489 : memref<128xi32, #tpu.memory_space<vmem>>) semaphore(%dma_start3A_494 : memref<!tpu.dma_semaphore, #tpu.memory_space<semaphore_mem>>)
    %dma_start3A_495 = arith.constant 1 : i32
    %dma_start3A_496 = arith.constant 1 : i32
    %dma_start3A_497 = arith.constant 1 : i32
    %dma_start3A_498 = arith.constant 0 : i32
    %dma_start3A_499 = arith.constant 0 : i32
    %dma_start3A_500 = tpu.memref_slice %arg7[%dma_start3A_496, %dma_start3A_498, %dma_start3A_499] : memref<4x128x128xf32, #tpu.memory_space<vmem>> -> memref<1x128x128xf32, #tpu.memory_space<vmem>>
    %dma_start3A_501 = tpu.memref_squeeze %dma_start3A_500 : memref<1x128x128xf32, #tpu.memory_space<vmem>> -> memref<128x128xf32, #tpu.memory_space<vmem>>
    %dma_start3A_502 = arith.constant 0 : i32
    %dma_start3A_503 = tpu.memref_slice %arg6[%dma_start3A_495, %dma_start3A_502] : memref<4x128xi32, #tpu.memory_space<vmem>> -> memref<1x128xi32, #tpu.memory_space<vmem>>
    %dma_start3A_504 = tpu.memref_squeeze %dma_start3A_503 : memref<1x128xi32, #tpu.memory_space<vmem>> -> memref<128xi32, #tpu.memory_space<vmem>>
    %dma_start3A_505 = arith.constant 0 : i32
    %dma_start3A_506 = arith.constant 0 : i32
    %dma_start3A_507 = tpu.memref_slice %arg3[%dma_start3A_505, %dma_start3A_506] : memref<200000x128xf32, #tpu.memory_space<hbm>> -> memref<200000x128xf32, #tpu.memory_space<hbm>>
    %dma_start3A_508 = tpu.memref_slice %arg8[%dma_start3A_497] : memref<4x!tpu.dma_semaphore, #tpu.memory_space<semaphore_mem>> -> memref<1x!tpu.dma_semaphore, #tpu.memory_space<semaphore_mem>>
    %dma_start3A_509 = tpu.memref_squeeze %dma_start3A_508 : memref<1x!tpu.dma_semaphore, #tpu.memory_space<semaphore_mem>> -> memref<!tpu.dma_semaphore, #tpu.memory_space<semaphore_mem>>
    tpu.enqueue_indirect_dma source(%dma_start3A_507 : memref<200000x128xf32, #tpu.memory_space<hbm>>) target(%dma_start3A_501 : memref<128x128xf32, #tpu.memory_space<vmem>>) offsets(%dma_start3A_504 : memref<128xi32, #tpu.memory_space<vmem>>) semaphore(%dma_start3A_509 : memref<!tpu.dma_semaphore, #tpu.memory_space<semaphore_mem>>)
    %dma_start3A_510 = arith.constant 2 : i32
    %dma_start3A_511 = arith.constant 2 : i32
    %dma_start3A_512 = arith.constant 2 : i32
    %dma_start3A_513 = arith.constant 0 : i32
    %dma_start3A_514 = arith.constant 0 : i32
    %dma_start3A_515 = tpu.memref_slice %arg7[%dma_start3A_511, %dma_start3A_513, %dma_start3A_514] : memref<4x128x128xf32, #tpu.memory_space<vmem>> -> memref<1x128x128xf32, #tpu.memory_space<vmem>>
    %dma_start3A_516 = tpu.memref_squeeze %dma_start3A_515 : memref<1x128x128xf32, #tpu.memory_space<vmem>> -> memref<128x128xf32, #tpu.memory_space<vmem>>
    %dma_start3A_517 = arith.constant 0 : i32
    %dma_start3A_518 = tpu.memref_slice %arg6[%dma_start3A_510, %dma_start3A_517] : memref<4x128xi32, #tpu.memory_space<vmem>> -> memref<1x128xi32, #tpu.memory_space<vmem>>
    %dma_start3A_519 = tpu.memref_squeeze %dma_start3A_518 : memref<1x128xi32, #tpu.memory_space<vmem>> -> memref<128xi32, #tpu.memory_space<vmem>>
    %dma_start3A_520 = arith.constant 0 : i32
    %dma_start3A_521 = arith.constant 0 : i32
    %dma_start3A_522 = tpu.memref_slice %arg3[%dma_start3A_520, %dma_start3A_521] : memref<200000x128xf32, #tpu.memory_space<hbm>> -> memref<200000x128xf32, #tpu.memory_space<hbm>>
    %dma_start3A_523 = tpu.memref_slice %arg8[%dma_start3A_512] : memref<4x!tpu.dma_semaphore, #tpu.memory_space<semaphore_mem>> -> memref<1x!tpu.dma_semaphore, #tpu.memory_space<semaphore_mem>>
    %dma_start3A_524 = tpu.memref_squeeze %dma_start3A_523 : memref<1x!tpu.dma_semaphore, #tpu.memory_space<semaphore_mem>> -> memref<!tpu.dma_semaphore, #tpu.memory_space<semaphore_mem>>
    tpu.enqueue_indirect_dma source(%dma_start3A_522 : memref<200000x128xf32, #tpu.memory_space<hbm>>) target(%dma_start3A_516 : memref<128x128xf32, #tpu.memory_space<vmem>>) offsets(%dma_start3A_519 : memref<128xi32, #tpu.memory_space<vmem>>) semaphore(%dma_start3A_524 : memref<!tpu.dma_semaphore, #tpu.memory_space<semaphore_mem>>)
    %dma_start3A_525 = arith.constant 3 : i32
    %dma_start3A_526 = arith.constant 3 : i32
    %dma_start3A_527 = arith.constant 3 : i32
    %dma_start3A_528 = arith.constant 0 : i32
    %dma_start3A_529 = arith.constant 0 : i32
    %dma_start3A_530 = tpu.memref_slice %arg7[%dma_start3A_526, %dma_start3A_528, %dma_start3A_529] : memref<4x128x128xf32, #tpu.memory_space<vmem>> -> memref<1x128x128xf32, #tpu.memory_space<vmem>>
    %dma_start3A_531 = tpu.memref_squeeze %dma_start3A_530 : memref<1x128x128xf32, #tpu.memory_space<vmem>> -> memref<128x128xf32, #tpu.memory_space<vmem>>
    %dma_start3A_532 = arith.constant 0 : i32
    %dma_start3A_533 = tpu.memref_slice %arg6[%dma_start3A_525, %dma_start3A_532] : memref<4x128xi32, #tpu.memory_space<vmem>> -> memref<1x128xi32, #tpu.memory_space<vmem>>
    %dma_start3A_534 = tpu.memref_squeeze %dma_start3A_533 : memref<1x128xi32, #tpu.memory_space<vmem>> -> memref<128xi32, #tpu.memory_space<vmem>>
    %dma_start3A_535 = arith.constant 0 : i32
    %dma_start3A_536 = arith.constant 0 : i32
    %dma_start3A_537 = tpu.memref_slice %arg3[%dma_start3A_535, %dma_start3A_536] : memref<200000x128xf32, #tpu.memory_space<hbm>> -> memref<200000x128xf32, #tpu.memory_space<hbm>>
    %dma_start3A_538 = tpu.memref_slice %arg8[%dma_start3A_527] : memref<4x!tpu.dma_semaphore, #tpu.memory_space<semaphore_mem>> -> memref<1x!tpu.dma_semaphore, #tpu.memory_space<semaphore_mem>>
    %dma_start3A_539 = tpu.memref_squeeze %dma_start3A_538 : memref<1x!tpu.dma_semaphore, #tpu.memory_space<semaphore_mem>> -> memref<!tpu.dma_semaphore, #tpu.memory_space<semaphore_mem>>
    tpu.enqueue_indirect_dma source(%dma_start3A_537 : memref<200000x128xf32, #tpu.memory_space<hbm>>) target(%dma_start3A_531 : memref<128x128xf32, #tpu.memory_space<vmem>>) offsets(%dma_start3A_534 : memref<128xi32, #tpu.memory_space<vmem>>) semaphore(%dma_start3A_539 : memref<!tpu.dma_semaphore, #tpu.memory_space<semaphore_mem>>)
    %dma_wait3A = arith.constant 0 : i32
    %dma_wait3A_540 = arith.constant 0 : i32
    %dma_wait3A_541 = arith.constant 0 : i32
    %dma_wait3A_542 = arith.constant 0 : i32
    %dma_wait3A_543 = arith.constant 0 : i32
    %dma_wait3A_544 = tpu.memref_slice %arg7[%dma_wait3A_540, %dma_wait3A_542, %dma_wait3A_543] : memref<4x128x128xf32, #tpu.memory_space<vmem>> -> memref<1x128x128xf32, #tpu.memory_space<vmem>>
    %dma_wait3A_545 = tpu.memref_squeeze %dma_wait3A_544 : memref<1x128x128xf32, #tpu.memory_space<vmem>> -> memref<128x128xf32, #tpu.memory_space<vmem>>
    %dma_wait3A_546 = arith.constant 0 : i32
    %dma_wait3A_547 = tpu.memref_slice %arg6[%dma_wait3A, %dma_wait3A_546] : memref<4x128xi32, #tpu.memory_space<vmem>> -> memref<1x128xi32, #tpu.memory_space<vmem>>
    %dma_wait3A_548 = tpu.memref_squeeze %dma_wait3A_547 : memref<1x128xi32, #tpu.memory_space<vmem>> -> memref<128xi32, #tpu.memory_space<vmem>>
    %dma_wait3A_549 = arith.constant 0 : i32
    %dma_wait3A_550 = arith.constant 0 : i32
    %dma_wait3A_551 = tpu.memref_slice %arg3[%dma_wait3A_549, %dma_wait3A_550] : memref<200000x128xf32, #tpu.memory_space<hbm>> -> memref<200000x128xf32, #tpu.memory_space<hbm>>
    %dma_wait3A_552 = tpu.memref_slice %arg8[%dma_wait3A_541] : memref<4x!tpu.dma_semaphore, #tpu.memory_space<semaphore_mem>> -> memref<1x!tpu.dma_semaphore, #tpu.memory_space<semaphore_mem>>
    %dma_wait3A_553 = tpu.memref_squeeze %dma_wait3A_552 : memref<1x!tpu.dma_semaphore, #tpu.memory_space<semaphore_mem>> -> memref<!tpu.dma_semaphore, #tpu.memory_space<semaphore_mem>>
    tpu.wait_indirect_dma semaphore(%dma_wait3A_553 : memref<!tpu.dma_semaphore, #tpu.memory_space<semaphore_mem>>) src(%dma_wait3A_551 : memref<200000x128xf32, #tpu.memory_space<hbm>>) dst(%dma_wait3A_545 : memref<128x128xf32, #tpu.memory_space<vmem>>)
    %dma_start3A_554 = arith.constant 0 : i32
    %dma_start3A_555 = arith.constant 0 : i32
    %dma_start3A_556 = arith.constant 0 : i32
    %dma_start3A_557 = arith.constant 0 : i32
    %dma_start3A_558 = tpu.memref_slice %arg7[%dma_start3A_554, %dma_start3A_556, %dma_start3A_557] : memref<4x128x128xf32, #tpu.memory_space<vmem>> -> memref<1x128x128xf32, #tpu.memory_space<vmem>>
    %dma_start3A_559 = tpu.memref_squeeze %dma_start3A_558 : memref<1x128x128xf32, #tpu.memory_space<vmem>> -> memref<128x128xf32, #tpu.memory_space<vmem>>
    %dma_start3A_560 = arith.constant 0 : i32
    %dma_start3A_561 = arith.constant 0 : i32
    %dma_start3A_562 = tpu.memref_slice %arg4[%add3A, %dma_start3A_555, %dma_start3A_560, %dma_start3A_561] : memref<32x4x128x128xf32, #tpu.memory_space<hbm>> -> memref<1x1x128x128xf32, #tpu.memory_space<hbm>>
    %dma_start3A_563 = tpu.memref_squeeze %dma_start3A_562 : memref<1x1x128x128xf32, #tpu.memory_space<hbm>> -> memref<128x128xf32, #tpu.memory_space<hbm>>
    %dma_start3A_564 = arith.constant 0 : i32
    %dma_start3A_565 = arith.constant 0 : i32
    %dma_start3A_566 = tpu.memref_slice %arg4[%add3A, %dma_start3A_555, %dma_start3A_564, %dma_start3A_565] : memref<32x4x128x128xf32, #tpu.memory_space<hbm>> -> memref<1x1x128x128xf32, #tpu.memory_space<hbm>>
    %dma_start3A_567 = tpu.memref_squeeze %dma_start3A_566 : memref<1x1x128x128xf32, #tpu.memory_space<hbm>> -> memref<128x128xf32, #tpu.memory_space<hbm>>
    %dma_start3A_568 = arith.constant 0 : i32
    %dma_start3A_569 = arith.constant 0 : i32
    %dma_start3A_570 = tpu.memref_slice %arg7[%dma_start3A_554, %dma_start3A_568, %dma_start3A_569] : memref<4x128x128xf32, #tpu.memory_space<vmem>> -> memref<1x128x128xf32, #tpu.memory_space<vmem>>
    %dma_start3A_571 = tpu.memref_squeeze %dma_start3A_570 : memref<1x128x128xf32, #tpu.memory_space<vmem>> -> memref<128x128xf32, #tpu.memory_space<vmem>>
    tpu.enqueue_dma source(%dma_start3A_571 : memref<128x128xf32, #tpu.memory_space<vmem>>) target(%dma_start3A_567 : memref<128x128xf32, #tpu.memory_space<hbm>>) target_semaphore(%arg9 : memref<!tpu.dma_semaphore, #tpu.memory_space<semaphore_mem>>)
    %dma_wait3A_572 = arith.constant 1 : i32
    %dma_wait3A_573 = arith.constant 1 : i32
    %dma_wait3A_574 = arith.constant 1 : i32
    %dma_wait3A_575 = arith.constant 0 : i32
    %dma_wait3A_576 = arith.constant 0 : i32
    %dma_wait3A_577 = tpu.memref_slice %arg7[%dma_wait3A_573, %dma_wait3A_575, %dma_wait3A_576] : memref<4x128x128xf32, #tpu.memory_space<vmem>> -> memref<1x128x128xf32, #tpu.memory_space<vmem>>
    %dma_wait3A_578 = tpu.memref_squeeze %dma_wait3A_577 : memref<1x128x128xf32, #tpu.memory_space<vmem>> -> memref<128x128xf32, #tpu.memory_space<vmem>>
    %dma_wait3A_579 = arith.constant 0 : i32
    %dma_wait3A_580 = tpu.memref_slice %arg6[%dma_wait3A_572, %dma_wait3A_579] : memref<4x128xi32, #tpu.memory_space<vmem>> -> memref<1x128xi32, #tpu.memory_space<vmem>>
    %dma_wait3A_581 = tpu.memref_squeeze %dma_wait3A_580 : memref<1x128xi32, #tpu.memory_space<vmem>> -> memref<128xi32, #tpu.memory_space<vmem>>
    %dma_wait3A_582 = arith.constant 0 : i32
    %dma_wait3A_583 = arith.constant 0 : i32
    %dma_wait3A_584 = tpu.memref_slice %arg3[%dma_wait3A_582, %dma_wait3A_583] : memref<200000x128xf32, #tpu.memory_space<hbm>> -> memref<200000x128xf32, #tpu.memory_space<hbm>>
    %dma_wait3A_585 = tpu.memref_slice %arg8[%dma_wait3A_574] : memref<4x!tpu.dma_semaphore, #tpu.memory_space<semaphore_mem>> -> memref<1x!tpu.dma_semaphore, #tpu.memory_space<semaphore_mem>>
    %dma_wait3A_586 = tpu.memref_squeeze %dma_wait3A_585 : memref<1x!tpu.dma_semaphore, #tpu.memory_space<semaphore_mem>> -> memref<!tpu.dma_semaphore, #tpu.memory_space<semaphore_mem>>
    tpu.wait_indirect_dma semaphore(%dma_wait3A_586 : memref<!tpu.dma_semaphore, #tpu.memory_space<semaphore_mem>>) src(%dma_wait3A_584 : memref<200000x128xf32, #tpu.memory_space<hbm>>) dst(%dma_wait3A_578 : memref<128x128xf32, #tpu.memory_space<vmem>>)
    %dma_start3A_587 = arith.constant 1 : i32
    %dma_start3A_588 = arith.constant 1 : i32
    %dma_start3A_589 = arith.constant 0 : i32
    %dma_start3A_590 = arith.constant 0 : i32
    %dma_start3A_591 = tpu.memref_slice %arg7[%dma_start3A_587, %dma_start3A_589, %dma_start3A_590] : memref<4x128x128xf32, #tpu.memory_space<vmem>> -> memref<1x128x128xf32, #tpu.memory_space<vmem>>
    %dma_start3A_592 = tpu.memref_squeeze %dma_start3A_591 : memref<1x128x128xf32, #tpu.memory_space<vmem>> -> memref<128x128xf32, #tpu.memory_space<vmem>>
    %dma_start3A_593 = arith.constant 0 : i32
    %dma_start3A_594 = arith.constant 0 : i32
    %dma_start3A_595 = tpu.memref_slice %arg4[%add3A, %dma_start3A_588, %dma_start3A_593, %dma_start3A_594] : memref<32x4x128x128xf32, #tpu.memory_space<hbm>> -> memref<1x1x128x128xf32, #tpu.memory_space<hbm>>
    %dma_start3A_596 = tpu.memref_squeeze %dma_start3A_595 : memref<1x1x128x128xf32, #tpu.memory_space<hbm>> -> memref<128x128xf32, #tpu.memory_space<hbm>>
    %dma_start3A_597 = arith.constant 0 : i32
    %dma_start3A_598 = arith.constant 0 : i32
    %dma_start3A_599 = tpu.memref_slice %arg4[%add3A, %dma_start3A_588, %dma_start3A_597, %dma_start3A_598] : memref<32x4x128x128xf32, #tpu.memory_space<hbm>> -> memref<1x1x128x128xf32, #tpu.memory_space<hbm>>
    %dma_start3A_600 = tpu.memref_squeeze %dma_start3A_599 : memref<1x1x128x128xf32, #tpu.memory_space<hbm>> -> memref<128x128xf32, #tpu.memory_space<hbm>>
    %dma_start3A_601 = arith.constant 0 : i32
    %dma_start3A_602 = arith.constant 0 : i32
    %dma_start3A_603 = tpu.memref_slice %arg7[%dma_start3A_587, %dma_start3A_601, %dma_start3A_602] : memref<4x128x128xf32, #tpu.memory_space<vmem>> -> memref<1x128x128xf32, #tpu.memory_space<vmem>>
    %dma_start3A_604 = tpu.memref_squeeze %dma_start3A_603 : memref<1x128x128xf32, #tpu.memory_space<vmem>> -> memref<128x128xf32, #tpu.memory_space<vmem>>
    tpu.enqueue_dma source(%dma_start3A_604 : memref<128x128xf32, #tpu.memory_space<vmem>>) target(%dma_start3A_600 : memref<128x128xf32, #tpu.memory_space<hbm>>) target_semaphore(%arg9 : memref<!tpu.dma_semaphore, #tpu.memory_space<semaphore_mem>>)
    %dma_wait3A_605 = arith.constant 2 : i32
    %dma_wait3A_606 = arith.constant 2 : i32
    %dma_wait3A_607 = arith.constant 2 : i32
    %dma_wait3A_608 = arith.constant 0 : i32
    %dma_wait3A_609 = arith.constant 0 : i32
    %dma_wait3A_610 = tpu.memref_slice %arg7[%dma_wait3A_606, %dma_wait3A_608, %dma_wait3A_609] : memref<4x128x128xf32, #tpu.memory_space<vmem>> -> memref<1x128x128xf32, #tpu.memory_space<vmem>>
    %dma_wait3A_611 = tpu.memref_squeeze %dma_wait3A_610 : memref<1x128x128xf32, #tpu.memory_space<vmem>> -> memref<128x128xf32, #tpu.memory_space<vmem>>
    %dma_wait3A_612 = arith.constant 0 : i32
    %dma_wait3A_613 = tpu.memref_slice %arg6[%dma_wait3A_605, %dma_wait3A_612] : memref<4x128xi32, #tpu.memory_space<vmem>> -> memref<1x128xi32, #tpu.memory_space<vmem>>
    %dma_wait3A_614 = tpu.memref_squeeze %dma_wait3A_613 : memref<1x128xi32, #tpu.memory_space<vmem>> -> memref<128xi32, #tpu.memory_space<vmem>>
    %dma_wait3A_615 = arith.constant 0 : i32
    %dma_wait3A_616 = arith.constant 0 : i32
    %dma_wait3A_617 = tpu.memref_slice %arg3[%dma_wait3A_615, %dma_wait3A_616] : memref<200000x128xf32, #tpu.memory_space<hbm>> -> memref<200000x128xf32, #tpu.memory_space<hbm>>
    %dma_wait3A_618 = tpu.memref_slice %arg8[%dma_wait3A_607] : memref<4x!tpu.dma_semaphore, #tpu.memory_space<semaphore_mem>> -> memref<1x!tpu.dma_semaphore, #tpu.memory_space<semaphore_mem>>
    %dma_wait3A_619 = tpu.memref_squeeze %dma_wait3A_618 : memref<1x!tpu.dma_semaphore, #tpu.memory_space<semaphore_mem>> -> memref<!tpu.dma_semaphore, #tpu.memory_space<semaphore_mem>>
    tpu.wait_indirect_dma semaphore(%dma_wait3A_619 : memref<!tpu.dma_semaphore, #tpu.memory_space<semaphore_mem>>) src(%dma_wait3A_617 : memref<200000x128xf32, #tpu.memory_space<hbm>>) dst(%dma_wait3A_611 : memref<128x128xf32, #tpu.memory_space<vmem>>)
    %dma_start3A_620 = arith.constant 2 : i32
    %dma_start3A_621 = arith.constant 2 : i32
    %dma_start3A_622 = arith.constant 0 : i32
    %dma_start3A_623 = arith.constant 0 : i32
    %dma_start3A_624 = tpu.memref_slice %arg7[%dma_start3A_620, %dma_start3A_622, %dma_start3A_623] : memref<4x128x128xf32, #tpu.memory_space<vmem>> -> memref<1x128x128xf32, #tpu.memory_space<vmem>>
    %dma_start3A_625 = tpu.memref_squeeze %dma_start3A_624 : memref<1x128x128xf32, #tpu.memory_space<vmem>> -> memref<128x128xf32, #tpu.memory_space<vmem>>
    %dma_start3A_626 = arith.constant 0 : i32
    %dma_start3A_627 = arith.constant 0 : i32
    %dma_start3A_628 = tpu.memref_slice %arg4[%add3A, %dma_start3A_621, %dma_start3A_626, %dma_start3A_627] : memref<32x4x128x128xf32, #tpu.memory_space<hbm>> -> memref<1x1x128x128xf32, #tpu.memory_space<hbm>>
    %dma_start3A_629 = tpu.memref_squeeze %dma_start3A_628 : memref<1x1x128x128xf32, #tpu.memory_space<hbm>> -> memref<128x128xf32, #tpu.memory_space<hbm>>
    %dma_start3A_630 = arith.constant 0 : i32
    %dma_start3A_631 = arith.constant 0 : i32
    %dma_start3A_632 = tpu.memref_slice %arg4[%add3A, %dma_start3A_621, %dma_start3A_630, %dma_start3A_631] : memref<32x4x128x128xf32, #tpu.memory_space<hbm>> -> memref<1x1x128x128xf32, #tpu.memory_space<hbm>>
    %dma_start3A_633 = tpu.memref_squeeze %dma_start3A_632 : memref<1x1x128x128xf32, #tpu.memory_space<hbm>> -> memref<128x128xf32, #tpu.memory_space<hbm>>
    %dma_start3A_634 = arith.constant 0 : i32
    %dma_start3A_635 = arith.constant 0 : i32
    %dma_start3A_636 = tpu.memref_slice %arg7[%dma_start3A_620, %dma_start3A_634, %dma_start3A_635] : memref<4x128x128xf32, #tpu.memory_space<vmem>> -> memref<1x128x128xf32, #tpu.memory_space<vmem>>
    %dma_start3A_637 = tpu.memref_squeeze %dma_start3A_636 : memref<1x128x128xf32, #tpu.memory_space<vmem>> -> memref<128x128xf32, #tpu.memory_space<vmem>>
    tpu.enqueue_dma source(%dma_start3A_637 : memref<128x128xf32, #tpu.memory_space<vmem>>) target(%dma_start3A_633 : memref<128x128xf32, #tpu.memory_space<hbm>>) target_semaphore(%arg9 : memref<!tpu.dma_semaphore, #tpu.memory_space<semaphore_mem>>)
    %dma_wait3A_638 = arith.constant 3 : i32
    %dma_wait3A_639 = arith.constant 3 : i32
    %dma_wait3A_640 = arith.constant 3 : i32
    %dma_wait3A_641 = arith.constant 0 : i32
    %dma_wait3A_642 = arith.constant 0 : i32
    %dma_wait3A_643 = tpu.memref_slice %arg7[%dma_wait3A_639, %dma_wait3A_641, %dma_wait3A_642] : memref<4x128x128xf32, #tpu.memory_space<vmem>> -> memref<1x128x128xf32, #tpu.memory_space<vmem>>
    %dma_wait3A_644 = tpu.memref_squeeze %dma_wait3A_643 : memref<1x128x128xf32, #tpu.memory_space<vmem>> -> memref<128x128xf32, #tpu.memory_space<vmem>>
    %dma_wait3A_645 = arith.constant 0 : i32
    %dma_wait3A_646 = tpu.memref_slice %arg6[%dma_wait3A_638, %dma_wait3A_645] : memref<4x128xi32, #tpu.memory_space<vmem>> -> memref<1x128xi32, #tpu.memory_space<vmem>>
    %dma_wait3A_647 = tpu.memref_squeeze %dma_wait3A_646 : memref<1x128xi32, #tpu.memory_space<vmem>> -> memref<128xi32, #tpu.memory_space<vmem>>
    %dma_wait3A_648 = arith.constant 0 : i32
    %dma_wait3A_649 = arith.constant 0 : i32
    %dma_wait3A_650 = tpu.memref_slice %arg3[%dma_wait3A_648, %dma_wait3A_649] : memref<200000x128xf32, #tpu.memory_space<hbm>> -> memref<200000x128xf32, #tpu.memory_space<hbm>>
    %dma_wait3A_651 = tpu.memref_slice %arg8[%dma_wait3A_640] : memref<4x!tpu.dma_semaphore, #tpu.memory_space<semaphore_mem>> -> memref<1x!tpu.dma_semaphore, #tpu.memory_space<semaphore_mem>>
    %dma_wait3A_652 = tpu.memref_squeeze %dma_wait3A_651 : memref<1x!tpu.dma_semaphore, #tpu.memory_space<semaphore_mem>> -> memref<!tpu.dma_semaphore, #tpu.memory_space<semaphore_mem>>
    tpu.wait_indirect_dma semaphore(%dma_wait3A_652 : memref<!tpu.dma_semaphore, #tpu.memory_space<semaphore_mem>>) src(%dma_wait3A_650 : memref<200000x128xf32, #tpu.memory_space<hbm>>) dst(%dma_wait3A_644 : memref<128x128xf32, #tpu.memory_space<vmem>>)
    %dma_start3A_653 = arith.constant 3 : i32
    %dma_start3A_654 = arith.constant 3 : i32
    %dma_start3A_655 = arith.constant 0 : i32
    %dma_start3A_656 = arith.constant 0 : i32
    %dma_start3A_657 = tpu.memref_slice %arg7[%dma_start3A_653, %dma_start3A_655, %dma_start3A_656] : memref<4x128x128xf32, #tpu.memory_space<vmem>> -> memref<1x128x128xf32, #tpu.memory_space<vmem>>
    %dma_start3A_658 = tpu.memref_squeeze %dma_start3A_657 : memref<1x128x128xf32, #tpu.memory_space<vmem>> -> memref<128x128xf32, #tpu.memory_space<vmem>>
    %dma_start3A_659 = arith.constant 0 : i32
    %dma_start3A_660 = arith.constant 0 : i32
    %dma_start3A_661 = tpu.memref_slice %arg4[%add3A, %dma_start3A_654, %dma_start3A_659, %dma_start3A_660] : memref<32x4x128x128xf32, #tpu.memory_space<hbm>> -> memref<1x1x128x128xf32, #tpu.memory_space<hbm>>
    %dma_start3A_662 = tpu.memref_squeeze %dma_start3A_661 : memref<1x1x128x128xf32, #tpu.memory_space<hbm>> -> memref<128x128xf32, #tpu.memory_space<hbm>>
    %dma_start3A_663 = arith.constant 0 : i32
    %dma_start3A_664 = arith.constant 0 : i32
    %dma_start3A_665 = tpu.memref_slice %arg4[%add3A, %dma_start3A_654, %dma_start3A_663, %dma_start3A_664] : memref<32x4x128x128xf32, #tpu.memory_space<hbm>> -> memref<1x1x128x128xf32, #tpu.memory_space<hbm>>
    %dma_start3A_666 = tpu.memref_squeeze %dma_start3A_665 : memref<1x1x128x128xf32, #tpu.memory_space<hbm>> -> memref<128x128xf32, #tpu.memory_space<hbm>>
    %dma_start3A_667 = arith.constant 0 : i32
    %dma_start3A_668 = arith.constant 0 : i32
    %dma_start3A_669 = tpu.memref_slice %arg7[%dma_start3A_653, %dma_start3A_667, %dma_start3A_668] : memref<4x128x128xf32, #tpu.memory_space<vmem>> -> memref<1x128x128xf32, #tpu.memory_space<vmem>>
    %dma_start3A_670 = tpu.memref_squeeze %dma_start3A_669 : memref<1x128x128xf32, #tpu.memory_space<vmem>> -> memref<128x128xf32, #tpu.memory_space<vmem>>
    tpu.enqueue_dma source(%dma_start3A_670 : memref<128x128xf32, #tpu.memory_space<vmem>>) target(%dma_start3A_666 : memref<128x128xf32, #tpu.memory_space<hbm>>) target_semaphore(%arg9 : memref<!tpu.dma_semaphore, #tpu.memory_space<semaphore_mem>>)
    %dma_wait3A_671 = arith.constant 0 : i32
    %dma_wait3A_672 = arith.constant 0 : i32
    %dma_wait3A_673 = arith.constant 0 : i32
    %dma_wait3A_674 = arith.constant 0 : i32
    %dma_wait3A_675 = tpu.memref_slice %arg7[%dma_wait3A_671, %dma_wait3A_673, %dma_wait3A_674] : memref<4x128x128xf32, #tpu.memory_space<vmem>> -> memref<1x128x128xf32, #tpu.memory_space<vmem>>
    %dma_wait3A_676 = tpu.memref_squeeze %dma_wait3A_675 : memref<1x128x128xf32, #tpu.memory_space<vmem>> -> memref<128x128xf32, #tpu.memory_space<vmem>>
    %dma_wait3A_677 = arith.constant 0 : i32
    %dma_wait3A_678 = arith.constant 0 : i32
    %dma_wait3A_679 = tpu.memref_slice %arg4[%add3A, %dma_wait3A_672, %dma_wait3A_677, %dma_wait3A_678] : memref<32x4x128x128xf32, #tpu.memory_space<hbm>> -> memref<1x1x128x128xf32, #tpu.memory_space<hbm>>
    %dma_wait3A_680 = tpu.memref_squeeze %dma_wait3A_679 : memref<1x1x128x128xf32, #tpu.memory_space<hbm>> -> memref<128x128xf32, #tpu.memory_space<hbm>>
    %dma_wait3A_681 = arith.constant 0 : i32
    %dma_wait3A_682 = arith.constant 0 : i32
    %dma_wait3A_683 = tpu.memref_slice %arg4[%add3A, %dma_wait3A_672, %dma_wait3A_681, %dma_wait3A_682] : memref<32x4x128x128xf32, #tpu.memory_space<hbm>> -> memref<1x1x128x128xf32, #tpu.memory_space<hbm>>
    %dma_wait3A_684 = tpu.memref_squeeze %dma_wait3A_683 : memref<1x1x128x128xf32, #tpu.memory_space<hbm>> -> memref<128x128xf32, #tpu.memory_space<hbm>>
    %dma_wait3A_685 = arith.constant 0 : i32
    %dma_wait3A_686 = arith.constant 0 : i32
    %dma_wait3A_687 = tpu.memref_slice %arg7[%dma_wait3A_671, %dma_wait3A_685, %dma_wait3A_686] : memref<4x128x128xf32, #tpu.memory_space<vmem>> -> memref<1x128x128xf32, #tpu.memory_space<vmem>>
    %dma_wait3A_688 = tpu.memref_squeeze %dma_wait3A_687 : memref<1x128x128xf32, #tpu.memory_space<vmem>> -> memref<128x128xf32, #tpu.memory_space<vmem>>
    tpu.wait_dma2 semaphore(%arg9 : memref<!tpu.dma_semaphore, #tpu.memory_space<semaphore_mem>>) src(%dma_wait3A_688 : memref<128x128xf32, #tpu.memory_space<vmem>>) dst(%dma_wait3A_684 : memref<128x128xf32, #tpu.memory_space<hbm>>)
    %dma_wait3A_689 = arith.constant 1 : i32
    %dma_wait3A_690 = arith.constant 1 : i32
    %dma_wait3A_691 = arith.constant 0 : i32
    %dma_wait3A_692 = arith.constant 0 : i32
    %dma_wait3A_693 = tpu.memref_slice %arg7[%dma_wait3A_689, %dma_wait3A_691, %dma_wait3A_692] : memref<4x128x128xf32, #tpu.memory_space<vmem>> -> memref<1x128x128xf32, #tpu.memory_space<vmem>>
    %dma_wait3A_694 = tpu.memref_squeeze %dma_wait3A_693 : memref<1x128x128xf32, #tpu.memory_space<vmem>> -> memref<128x128xf32, #tpu.memory_space<vmem>>
    %dma_wait3A_695 = arith.constant 0 : i32
    %dma_wait3A_696 = arith.constant 0 : i32
    %dma_wait3A_697 = tpu.memref_slice %arg4[%add3A, %dma_wait3A_690, %dma_wait3A_695, %dma_wait3A_696] : memref<32x4x128x128xf32, #tpu.memory_space<hbm>> -> memref<1x1x128x128xf32, #tpu.memory_space<hbm>>
    %dma_wait3A_698 = tpu.memref_squeeze %dma_wait3A_697 : memref<1x1x128x128xf32, #tpu.memory_space<hbm>> -> memref<128x128xf32, #tpu.memory_space<hbm>>
    %dma_wait3A_699 = arith.constant 0 : i32
    %dma_wait3A_700 = arith.constant 0 : i32
    %dma_wait3A_701 = tpu.memref_slice %arg4[%add3A, %dma_wait3A_690, %dma_wait3A_699, %dma_wait3A_700] : memref<32x4x128x128xf32, #tpu.memory_space<hbm>> -> memref<1x1x128x128xf32, #tpu.memory_space<hbm>>
    %dma_wait3A_702 = tpu.memref_squeeze %dma_wait3A_701 : memref<1x1x128x128xf32, #tpu.memory_space<hbm>> -> memref<128x128xf32, #tpu.memory_space<hbm>>
    %dma_wait3A_703 = arith.constant 0 : i32
    %dma_wait3A_704 = arith.constant 0 : i32
    %dma_wait3A_705 = tpu.memref_slice %arg7[%dma_wait3A_689, %dma_wait3A_703, %dma_wait3A_704] : memref<4x128x128xf32, #tpu.memory_space<vmem>> -> memref<1x128x128xf32, #tpu.memory_space<vmem>>
    %dma_wait3A_706 = tpu.memref_squeeze %dma_wait3A_705 : memref<1x128x128xf32, #tpu.memory_space<vmem>> -> memref<128x128xf32, #tpu.memory_space<vmem>>
    tpu.wait_dma2 semaphore(%arg9 : memref<!tpu.dma_semaphore, #tpu.memory_space<semaphore_mem>>) src(%dma_wait3A_706 : memref<128x128xf32, #tpu.memory_space<vmem>>) dst(%dma_wait3A_702 : memref<128x128xf32, #tpu.memory_space<hbm>>)
    %dma_wait3A_707 = arith.constant 2 : i32
    %dma_wait3A_708 = arith.constant 2 : i32
    %dma_wait3A_709 = arith.constant 0 : i32
    %dma_wait3A_710 = arith.constant 0 : i32
    %dma_wait3A_711 = tpu.memref_slice %arg7[%dma_wait3A_707, %dma_wait3A_709, %dma_wait3A_710] : memref<4x128x128xf32, #tpu.memory_space<vmem>> -> memref<1x128x128xf32, #tpu.memory_space<vmem>>
    %dma_wait3A_712 = tpu.memref_squeeze %dma_wait3A_711 : memref<1x128x128xf32, #tpu.memory_space<vmem>> -> memref<128x128xf32, #tpu.memory_space<vmem>>
    %dma_wait3A_713 = arith.constant 0 : i32
    %dma_wait3A_714 = arith.constant 0 : i32
    %dma_wait3A_715 = tpu.memref_slice %arg4[%add3A, %dma_wait3A_708, %dma_wait3A_713, %dma_wait3A_714] : memref<32x4x128x128xf32, #tpu.memory_space<hbm>> -> memref<1x1x128x128xf32, #tpu.memory_space<hbm>>
    %dma_wait3A_716 = tpu.memref_squeeze %dma_wait3A_715 : memref<1x1x128x128xf32, #tpu.memory_space<hbm>> -> memref<128x128xf32, #tpu.memory_space<hbm>>
    %dma_wait3A_717 = arith.constant 0 : i32
    %dma_wait3A_718 = arith.constant 0 : i32
    %dma_wait3A_719 = tpu.memref_slice %arg4[%add3A, %dma_wait3A_708, %dma_wait3A_717, %dma_wait3A_718] : memref<32x4x128x128xf32, #tpu.memory_space<hbm>> -> memref<1x1x128x128xf32, #tpu.memory_space<hbm>>
    %dma_wait3A_720 = tpu.memref_squeeze %dma_wait3A_719 : memref<1x1x128x128xf32, #tpu.memory_space<hbm>> -> memref<128x128xf32, #tpu.memory_space<hbm>>
    %dma_wait3A_721 = arith.constant 0 : i32
    %dma_wait3A_722 = arith.constant 0 : i32
    %dma_wait3A_723 = tpu.memref_slice %arg7[%dma_wait3A_707, %dma_wait3A_721, %dma_wait3A_722] : memref<4x128x128xf32, #tpu.memory_space<vmem>> -> memref<1x128x128xf32, #tpu.memory_space<vmem>>
    %dma_wait3A_724 = tpu.memref_squeeze %dma_wait3A_723 : memref<1x128x128xf32, #tpu.memory_space<vmem>> -> memref<128x128xf32, #tpu.memory_space<vmem>>
    tpu.wait_dma2 semaphore(%arg9 : memref<!tpu.dma_semaphore, #tpu.memory_space<semaphore_mem>>) src(%dma_wait3A_724 : memref<128x128xf32, #tpu.memory_space<vmem>>) dst(%dma_wait3A_720 : memref<128x128xf32, #tpu.memory_space<hbm>>)
    %dma_wait3A_725 = arith.constant 3 : i32
    %dma_wait3A_726 = arith.constant 3 : i32
    %dma_wait3A_727 = arith.constant 0 : i32
    %dma_wait3A_728 = arith.constant 0 : i32
    %dma_wait3A_729 = tpu.memref_slice %arg7[%dma_wait3A_725, %dma_wait3A_727, %dma_wait3A_728] : memref<4x128x128xf32, #tpu.memory_space<vmem>> -> memref<1x128x128xf32, #tpu.memory_space<vmem>>
    %dma_wait3A_730 = tpu.memref_squeeze %dma_wait3A_729 : memref<1x128x128xf32, #tpu.memory_space<vmem>> -> memref<128x128xf32, #tpu.memory_space<vmem>>
    %dma_wait3A_731 = arith.constant 0 : i32
    %dma_wait3A_732 = arith.constant 0 : i32
    %dma_wait3A_733 = tpu.memref_slice %arg4[%add3A, %dma_wait3A_726, %dma_wait3A_731, %dma_wait3A_732] : memref<32x4x128x128xf32, #tpu.memory_space<hbm>> -> memref<1x1x128x128xf32, #tpu.memory_space<hbm>>
    %dma_wait3A_734 = tpu.memref_squeeze %dma_wait3A_733 : memref<1x1x128x128xf32, #tpu.memory_space<hbm>> -> memref<128x128xf32, #tpu.memory_space<hbm>>
    %dma_wait3A_735 = arith.constant 0 : i32
    %dma_wait3A_736 = arith.constant 0 : i32
    %dma_wait3A_737 = tpu.memref_slice %arg4[%add3A, %dma_wait3A_726, %dma_wait3A_735, %dma_wait3A_736] : memref<32x4x128x128xf32, #tpu.memory_space<hbm>> -> memref<1x1x128x128xf32, #tpu.memory_space<hbm>>
    %dma_wait3A_738 = tpu.memref_squeeze %dma_wait3A_737 : memref<1x1x128x128xf32, #tpu.memory_space<hbm>> -> memref<128x128xf32, #tpu.memory_space<hbm>>
    %dma_wait3A_739 = arith.constant 0 : i32
    %dma_wait3A_740 = arith.constant 0 : i32
    %dma_wait3A_741 = tpu.memref_slice %arg7[%dma_wait3A_725, %dma_wait3A_739, %dma_wait3A_740] : memref<4x128x128xf32, #tpu.memory_space<vmem>> -> memref<1x128x128xf32, #tpu.memory_space<vmem>>
    %dma_wait3A_742 = tpu.memref_squeeze %dma_wait3A_741 : memref<1x128x128xf32, #tpu.memory_space<vmem>> -> memref<128x128xf32, #tpu.memory_space<vmem>>
    tpu.wait_dma2 semaphore(%arg9 : memref<!tpu.dma_semaphore, #tpu.memory_space<semaphore_mem>>) src(%dma_wait3A_742 : memref<128x128xf32, #tpu.memory_space<vmem>>) dst(%dma_wait3A_738 : memref<128x128xf32, #tpu.memory_space<hbm>>)
    return
  }
}

</mosaic_0001>

<sc_bundles>
// kernel: kernel.3.cloned.1.call-start
scs
__scs_entry_jumppad:
0x0: {  	(pc) =	sbr.rel $0x88, $3  }
0x1: {  	(tag) =	ssettag $0x0;
	lr =	simm.s32 $0x1  }
0x2: {  	[smem:$0x3F9F] =	sst lr;
	_ =	strace $0xD0000000  }
0x3: {  	_ = 	snop  }
0x4: {  	_ = 	snop  }
0x5: {  	_ = 	snop  }
0x6: {  	_ = 	snop  }
0x7: {  	_ = 	snop  }
__scs_overlays_trampoline_lowered:
0x8: {  	[smem:$0x3FAE] =	sst s0  }
0x9: {  	[smem:$0x3FAF] =	sst s1  }
0xa: {  	[smem:$0x3FB0] =	sst s2  }
0xb: {  	[smem:$0x3FB1] =	sst s3  }
0xc: {  	[smem:$0x3FB2] =	sst s4  }
0xd: {  	[smem:$0x3FB3] =	sst s5  }
0xe: {  	[smem:$0x3FB4] =	sst s6  }
0xf: {  	[smem:$0x3FB5] =	sst s7  }
0x10: {  	[smem:$0x3FB6] =	sst s8  }
0x11: {  	[smem:$0x3FB7] =	sst s9;
	s0 =	simm.s32 @!p0 $0x0  }
0x12: {  	s1 =	sld [smem:$0x3F9D];
	s0 =	simm.s32 @p0 $0x1  }
0x13: {  	[smem:$0x3FB8] =	sst s0;
	s0 =	simm.s32 @!p1 $0x0  }
0x14: {  	s2 =	sld [smem:$0x3F9C];
	s0 =	simm.s32 @p1 $0x1  }
0x15: {  	[smem:$0x3FB9] =	sst s0;
	s0 =	simm.s32 @!p2 $0x0  }
0x16: {  	s3 =	sld [smem:$0x3FDB];
	s0 =	simm.s32 @p2 $0x1  }
0x17: {  	s4 =	simm.s32 $0x1BF5;
	[smem:$0x3FBB] =	sst s0  }
0x18: {  	s0 =	sld [smem:$0x3F9E];
	_ =	swait.ge [sflag:s4], $0x0  }
0x19: {  	s7 =	sld [smem:$0x3F9F]  }
0x1a: {  	s8 =	sadd.s32 $0xFFFFE003, lr  }
0x1b: {  	s9 =	sadd.s32 $0xFFFFFEF7, lr;
	s5 =	simm.s32 $0xFFFFFFFF;
	p2 =	slt.u32 s8, $0xFFFFF086  }
0x1c: {  	p1 =	slt.u32 s9, $0xF7A;
	s5 =	simm.s32 @!p2 $0x0  }
0x1d: {  	s5 =	simm.s32 @p1 $0x1;
	p0 =	seq.s32 s7, s2  }
0x1e: {  	s7 =	smul.u32 @!p0 $0xF7A, s2;
	p2 =	seq.s32 @!p0 s5, $0x0  }
0x1f: {  	s9 =	smul.u32 $0xF7A, s1;
	s8 =	simm.s32 @!p0 $0x1BF5;
	p2 =	por !p2, p0  }
0x20: {  	[sflag:s8] =	ssyncset.s32 @!p0 $0xFFFFF086;
	s6 =	sadd.s32 @!p0 s3, s7;
	s7 =	simm.s32 @!p0 $0x108  }
0x21: {  	s3 =	sadd.s32 s3, s9;
	s6 =	sadd.s32 @!p0 $0x88, s6;
	s7 =	simm.s32 @p2 $0x1082  }
0x22: {  	[simem:s7], [sflag:s8] =	dma.local @!p0 [hbm:s6], $0xF7A  }
0x23: {  	s9 =	sor.u32 $0xD0000000, s2;
	s6 =	simm.s32 $0x108;
	_ =	swait.ge @!p0 [sflag:s8], $0x0  }
0x24: {  	s3 =	sadd.s32 $0x88, s3;
	s6 =	simm.s32 @!p1 $0x1082;
	[sflag:s4] =	ssyncset.s32 $0xFFFFF086  }
0x25: {  	[simem:s6], [sflag:s4] =	dma.local [hbm:s3], $0xF7A  }
0x26: {  	[smem:$0x3F9F] =	sst s1;
	(tag) =	ssettag s2;
	_ =	strace s9  }
0x27: {  	s1 =	sld [smem:$0x3FAF]  }
0x28: {  	s2 =	sld [smem:$0x3FB0]  }
0x29: {  	s4 =	sld [smem:$0x3FB2]  }
0x2a: {  	p0 =	seq.s32 s5, $0x0;
	s5 =	sld [smem:$0x3FB3]  }
0x2b: {  	s6 =	sld [smem:$0x3FB4]  }
0x2c: {  	s7 =	sld [smem:$0x3FB5]  }
0x2d: {  	s3 =	simm.s32 $0x108;
	s8 =	sld [smem:$0x3FB6]  }
0x2e: {  	s3 =	simm.s32 @!p0 $0x1082;
	s9 =	sld [smem:$0x3FB7]  }
0x2f: {  	lr =	sadd.s32 s0, s3;
	s0 =	sld [smem:$0x3FAE]  }
0x30: {  	s3 =	sld [smem:$0x3FB1]  }
0x31: {  	[smem:$0x3FBA] =	sst s10  }
0x32: {  	s10 =	sld [smem:$0x3FB8];
	_ =	sdelay $0x3  }
0x33: {  	p0 =	seq.s32 s10, $0x1;
	s10 =	sld [smem:$0x3FBA];
	_ =	sdelay $0x3  }
0x34: {  	[smem:$0x3FBA] =	sst s10  }
0x35: {  	s10 =	sld [smem:$0x3FB9];
	_ =	sdelay $0x3  }
0x36: {  	p1 =	seq.s32 s10, $0x1;
	s10 =	sld [smem:$0x3FBA];
	_ =	sdelay $0x3  }
0x37: {  	[smem:$0x3FBA] =	sst s10  }
0x38: {  	s10 =	sld [smem:$0x3FBB]  }
0x39: {  	_ = 	snop;
	(pc) =	sbr.ind lr, $3  }
0x3a: {  	_ = 	snop  }
0x3b: {  	_ = 	snop  }
0x3c: {  	p2 =	seq.s32 s10, $0x1;
	s10 =	sld [smem:$0x3FBA]  }
0x3d: {  	_ =	shalt  }
0x3e: {  	_ =	shalt  }
0x3f: {  	_ =	shalt  }
0x40: {  	_ =	shalt  }
0x41: {  	_ =	shalt  }
0x42: {  	_ =	shalt  }
0x43: {  	_ =	shalt  }
0x44: {  	_ =	shalt  }
0x45: {  	_ =	shalt  }
0x46: {  	_ =	shalt  }
0x47: {  	_ =	shalt  }
0x48: {  	_ =	shalt  }
0x49: {  	_ =	shalt  }
0x4a: {  	_ =	shalt  }
0x4b: {  	_ =	shalt  }
0x4c: {  	_ =	shalt  }
0x4d: {  	_ =	shalt  }
0x4e: {  	_ =	shalt  }
0x4f: {  	_ =	shalt  }
0x50: {  	_ =	shalt  }
0x51: {  	_ =	shalt  }
0x52: {  	_ =	shalt  }
0x53: {  	_ =	shalt  }
0x54: {  	_ =	shalt  }
0x55: {  	_ =	shalt  }
0x56: {  	_ =	shalt  }
0x57: {  	_ =	shalt  }
0x58: {  	_ =	shalt  }
0x59: {  	_ =	shalt  }
0x5a: {  	_ =	shalt  }
0x5b: {  	_ =	shalt  }
0x5c: {  	_ =	shalt  }
0x5d: {  	_ =	shalt  }
0x5e: {  	_ =	shalt  }
0x5f: {  	_ =	shalt  }
0x60: {  	_ =	shalt  }
0x61: {  	_ =	shalt  }
0x62: {  	_ =	shalt  }
0x63: {  	_ =	shalt  }
0x64: {  	_ =	shalt  }
0x65: {  	_ =	shalt  }
0x66: {  	_ =	shalt  }
0x67: {  	_ =	shalt  }
0x68: {  	_ =	shalt  }
0x69: {  	_ =	shalt  }
0x6a: {  	_ =	shalt  }
0x6b: {  	_ =	shalt  }
0x6c: {  	_ =	shalt  }
0x6d: {  	_ =	shalt  }
0x6e: {  	_ =	shalt  }
0x6f: {  	_ =	shalt  }
0x70: {  	_ =	shalt  }
0x71: {  	_ =	shalt  }
0x72: {  	_ =	shalt  }
0x73: {  	_ =	shalt  }
0x74: {  	_ =	shalt  }
0x75: {  	_ =	shalt  }
0x76: {  	_ =	shalt  }
0x77: {  	_ =	shalt  }
0x78: {  	_ =	shalt  }
0x79: {  	_ =	shalt  }
0x7a: {  	_ =	shalt  }
0x7b: {  	_ =	shalt  }
0x7c: {  	_ =	shalt  }
0x7d: {  	_ =	shalt  }
0x7e: {  	_ =	shalt  }
0x7f: {  	_ =	shalt  }
0x80: {  	_ =	shalt  }
0x81: {  	_ =	shalt  }
0x82: {  	_ =	shalt  }
0x83: {  	_ =	shalt  }
0x84: {  	_ =	shalt  }
0x85: {  	_ =	shalt  }
0x86: {  	_ =	shalt  }
0x87: {  	_ =	shalt  }
.Lfunc_end0:
.L_simem_size_0:
called_computation_lowered:
.L_overlay_start_0:
0x88: {  	s2 =	sld [smem:$0x3FD9]  }
0x89: {  	s3 =	sld [smem:$0x3FFE];
	_ =	sdelay $0x1  }
0x8a: {  	s1 =	srdreg.scid  }
0x8b: {  	s0 =	sand.u32 $0x1, s1  }
0x8c: {  	s18 =	sshll.u32 s0, $0xA;
	s2 =	sadd.s32 s3, s2  }
0x8d: {  	s2 =	sadd.s32 s2, s18  }
0x8e: {  	[smem:$0x3FC6] =	sst s2  }
0x8f: {  	_ = 	snop  }
0x90: {  	s2 =	sld [smem:$0x3FC9]  }
0x91: {  	s19 =	sld [smem:$0x3FC8]  }
0x92: {  	s4 =	sld [smem:$0x3FD0];
	(tm) =	ssettm $0x1  }
0x93: {  	s5 =	sld [smem:$0x3FFB];
	_ =	sdelay $0x3  }
0x94: {  	_ =	strace s5  }
0x95: {  	s5 =	sld [smem:$0x3FFC];
	_ =	sdelay $0x3  }
0x96: {  	_ =	strace s5  }
0x97: {  	s5 =	sld [smem:$0x3FFD];
	_ =	sdelay $0x3  }
0x98: {  	_ =	strace s5  }
0x99: {  	_ =	strace $0x8FFFFFFF  }
0x9a: {  	s20 =	sld [smem:$0x3FDB];
	_ =	sdelay $0x1  }
0x9b: {  	s6 =	simm.s32 $_scs_section_size  }
0x9c: {  	s7 =	simm.s32 $_size__tile_overlayer_lowered;
	s8 =	simm.s32 $_tile_overlayer_lowered  }
0x9d: {  	s23 =	simm.s32 $0x1BFF;
	s22 =	sshll.u32 s8, $0x1;
	s5 =	sadd.s32 s6, s20  }
0x9e: {  	s9 =	simm.s32 $0x0;
	s21 =	sshll.u32 s7, $0x1;
	s7 =	sadd.s32 s22, s5  }
0x9f: {  	[timem:s9], [sflag:s23] =	dma.local [hbm:s7], s21  }
0xa0: {  	_ =	swait.ge [sflag:s23], s21  }
0xa1: {  	s6 =	ssub.s32 $0x0, s21;
	[sflag:s23] =	ssyncset.done $0x0  }
0xa2: {  	[sflag:s23] =	ssyncadd.s32 s6;
	_ =	sdelay $0x1  }
0xa3: {  	s24 =	simm.s32 $0x1B8B  }
0xa4: {  	_ =	swait.ge [sflag:s24], $0x1  }
0xa5: {  	[sflag:s24] =	ssyncset.done $0x0  }
0xa6: {  	s25 =	simm.s32 $0x1B8E;
	[sflag:s24] =	ssyncadd.s32 $0xFFFFFFFF  }
0xa7: {  	s26 =	simm.s32 $execute0_lowered;
	[smem:$0x3FD2] =	sst s25  }
0xa8: {  	s6 =	sshll.u32 s26, $0x1;
	_ =	strace $0x80000046;
	[dreg:$0x1] =	wrdreg $0xFFFFFFFF  }
0xa9: {  	s28 =	simm.s32 $_size_execute0_lowered;
	s5 =	sadd.s32 s5, s6;
	[dreg:$0x0] =	wrdreg $0x0  }
0xaa: {  	s6 =	sshll.u32 s28, $0x1;
	[dreg:$0x2] =	wrdreg s5  }
0xab: {  	[dreg:$0x3] =	wrdreg s6  }
0xac: {  	[dreg:$0x4] =	wrdreg $0xC0  }
0xad: {  	_ =	task [dreg:s9], $0x5FFFF  }
0xae: {  	[dreg:$0x1] =	wrdreg $0xFFFFFFFF  }
0xaf: {  	[dreg:$0x0] =	wrdreg $0x60  }
0xb0: {  	[dreg:$0x2] =	wrdreg s2  }
0xb1: {  	[dreg:$0x3] =	wrdreg s19  }
0xb2: {  	[dreg:$0x4] =	wrdreg s4  }
0xb3: {  	[dreg:$0x5] =	wrdreg $0x9  }
0xb4: {  	_ =	task.clear_ibuf [dreg:s9], $0x6FFFF;
	_ =	strace $0x90000046  }
0xb5: {  	s29 =	simm.s32 $0x9;
	_ =	strace $0x80000048  }
0xb6: {  	_ =	swait.ge [sflag:s29], $0x1  }
0xb7: {  	[sflag:s29] =	ssyncadd.s32 $0xFFFFFFFF  }
0xb8: {  	_ =	strace $0x90000048  }
0xb9: {  	_ =	sfence  }
0xba: {  	s30 =	sld [smem:$0x0];
	_ =	sdelay $0x2  }
0xbb: {  	s31 =	sshll.u32 s1, $0xD;
	s1 =	sshrl.u32 s1, $0x2  }
0xbc: {  	s3 =	sand.u32 $0x4000, s31;
	s1 =	sadd.s32 s1, s30  }
0xbd: {  	s0 =	sor.u32 s3, s0;
	s1 =	sshll.u32 s1, $0x11  }
0xbe: {  	s0 =	sor.u32 s1, s0  }
0xbf: {  	s0 =	sadd.s32 $0x8F2B, s0  }
0xc0: {  	[sflag:s0] =	ssyncadd.remote.s32 $0x1  }
0xc1: {  	_ =	sfence.sel $0xFFFF  }
0xc2: {  	[dreg:$0x0] =	wrdreg $0xFFFFFFFF;
	(pc) =	sbr.abs _section_cstart, $3  }
0xc3: {  	[dreg:$0x1] =	wrdreg $0xFFFFFFFF  }
0xc4: {  	_ =	task.clear_ibuf [dreg:s9], $0x2FFFF;
	_ =	strace $0x9FFFFFFF  }
0xc5: {  	(tm) =	ssettm $0x7FFFFFFF  }
tec
execute0_lowered:
.L_overlay_start_1:
0x0: {  	(tag) =	ssettag $0x1  }
0x1: {  	s4 =	rddreg [dreg:$0x0]  }
0x2: {  	s3 =	rddreg [dreg:$0x1]  }
0x3: {  	s1 =	srdreg.scid;
	s0 =	stileid.u32  }
0x4: {  	s6 =	rddreg [dreg:$0x2];
	s7 =	sand.u32 $0x1, s1;
	s5 =	sshll.u32 s0, $0x1  }
0x5: {  	s2 =	simm.s32 $0x0;
	s1 =	rddreg [dreg:$0x3];
	s8 =	sor.u32 s7, s5  }
0x6: {  	[smem:$0x7FF] =	sst s2;
	s5 =	sshll.u32 s8, $0x6  }
0x7: {  	_ =	strace $0x80000047;
	s4 =	sadd.s32 s4, s5;
	s5 =	simm.s32 $0x6  }
0x8: {  	[tilespmem:s2], [sflag:$0x6] =	stream.linear.gather [hbm4b:s4+s2], $0x200, $0x38;
	[tilespmem:$0x10400] =	vst v63  }
0x9: {  	_ =	swait.ge [sflag:s5], $0x200  }
0xa: {  	[sflag:s5] =	ssyncset.done $0x0  }
0xb: {  	[sflag:s5] =	ssyncadd.s32 $0xFFFFFE00  }
0xc: {  	v0 =	vld [tilespmem:$0x1F0]  }
0xd: {  	v1 =	vld [tilespmem:$0xB0]  }
0xe: {  	v2 =	vld [tilespmem:$0x1E0]  }
0xf: {  	v3 =	vld [tilespmem:$0x1D0]  }
0x10: {  	v4 =	vld [tilespmem:$0x1C0]  }
0x11: {  	v5 =	vld [tilespmem:$0x1A0]  }
0x12: {  	v6 =	vld [tilespmem:$0x190];
	v0 =	vshll.u32 v0, $0x1  }
0x13: {  	v7 =	vld [tilespmem:$0x180];
	v1 =	vshll.u32 v1, $0x1;
	v0 =	vor.u32 $0x1, v0  }
0x14: {  	v33 =	vld [tilespmem:$0x160];
	v2 =	vshll.u32 v2, $0x1;
	v1 =	vor.u32 $0x1, v1;
	[tilespmem:$0x3F0] =	vst v0  }
0x15: {  	v45 =	vld [tilespmem:$0x1B0];
	v4 =	vshll.u32 v4, $0x1;
	v2 =	vor.u32 $0x1, v2;
	[tilespmem:$0x2B0] =	vst v1  }
0x16: {  	v5 =	vshll.u32 v5, $0x1;
	v4 =	vor.u32 $0x1, v4;
	[tilespmem:$0x3E0] =	vst v2  }
0x17: {  	v31 =	vld [tilespmem:$0x170];
	v6 =	vshll.u32 v6, $0x1;
	v5 =	vor.u32 $0x1, v5;
	[tilespmem:$0x3C0] =	vst v4  }
0x18: {  	v34 =	vld [tilespmem:$0x150];
	v7 =	vshll.u32 v7, $0x1;
	v6 =	vor.u32 $0x1, v6;
	[tilespmem:$0x3A0] =	vst v5  }
0x19: {  	v36 =	vld [tilespmem:$0x130];
	v32 =	vshll.u32 v3, $0x1;
	v3 =	vshll.u32 v33, $0x1;
	v7 =	vor.u32 $0x1, v7;
	[tilespmem:$0x390] =	vst v6  }
0x1a: {  	v37 =	vld [tilespmem:$0x120];
	v51 =	vshll.u32 v45, $0x1;
	v3 =	vor.u32 $0x1, v3;
	[tilespmem:$0x380] =	vst v7  }
0x1b: {  	v38 =	vld [tilespmem:$0x110];
	v53 =	vor.u32 $0x1, v51;
	[tilespmem:$0x360] =	vst v3  }
0x1c: {  	v41 =	vld [tilespmem:$0xE0];
	v1 =	vor.u32 $0x1, v32;
	v0 =	vshll.u32 v31, $0x1;
	[tilespmem:$0x3B0] =	vst v53  }
0x1d: {  	v46 =	vld [tilespmem:$0xA0];
	v2 =	vshll.u32 v34, $0x1;
	[tilespmem:$0x3D0] =	vst v1;
	v0 =	vor.u32 $0x1, v0  }
0x1e: {  	v35 =	vld [tilespmem:$0x140];
	v4 =	vshll.u32 v36, $0x1;
	v2 =	vor.u32 $0x1, v2;
	[tilespmem:$0x370] =	vst v0  }
0x1f: {  	v39 =	vld [tilespmem:$0x100];
	v5 =	vshll.u32 v37, $0x1;
	v4 =	vor.u32 $0x1, v4;
	[tilespmem:$0x350] =	vst v2  }
0x20: {  	v40 =	vld [tilespmem:$0xF0];
	v6 =	vshll.u32 v38, $0x1;
	v5 =	vor.u32 $0x1, v5;
	[tilespmem:$0x330] =	vst v4  }
0x21: {  	v42 =	vld [tilespmem:$0xD0];
	v3 =	vshll.u32 v41, $0x1;
	v6 =	vor.u32 $0x1, v6;
	[tilespmem:$0x320] =	vst v5  }
0x22: {  	v47 =	vld [tilespmem:$0x90];
	v7 =	vshll.u32 v46, $0x1;
	v3 =	vor.u32 $0x1, v3;
	[tilespmem:$0x310] =	vst v6  }
0x23: {  	v50 =	vld [tilespmem:$0x60];
	v1 =	vshll.u32 v35, $0x1;
	v7 =	vor.u32 $0x1, v7;
	[tilespmem:$0x2E0] =	vst v3  }
0x24: {  	v52 =	vld [tilespmem:$0x50];
	v44 =	vshll.u32 v39, $0x1;
	v1 =	vor.u32 $0x1, v1;
	[tilespmem:$0x2A0] =	vst v7  }
0x25: {  	v43 =	vld [tilespmem:$0xC0];
	v0 =	vshll.u32 v40, $0x1;
	v4 =	vor.u32 $0x1, v44;
	[tilespmem:$0x340] =	vst v1  }
0x26: {  	v48 =	vld [tilespmem:$0x80];
	v2 =	vshll.u32 v42, $0x1;
	v0 =	vor.u32 $0x1, v0;
	[tilespmem:$0x300] =	vst v4  }
0x27: {  	v56 =	vld [tilespmem:$0x20];
	v6 =	vshll.u32 v47, $0x1;
	v2 =	vor.u32 $0x1, v2;
	[tilespmem:$0x2F0] =	vst v0  }
0x28: {  	v49 =	vld [tilespmem:$0x70];
	v3 =	vshll.u32 v50, $0x1;
	v6 =	vor.u32 $0x1, v6;
	[tilespmem:$0x2D0] =	vst v2  }
0x29: {  	v54 =	vld [tilespmem:$0x40];
	v5 =	vshll.u32 v52, $0x1;
	v3 =	vor.u32 $0x1, v3;
	[tilespmem:$0x290] =	vst v6  }
0x2a: {  	v55 =	vld [tilespmem:$0x30];
	v1 =	vshll.u32 v43, $0x1;
	v60 =	vor.u32 $0x1, v5;
	[tilespmem:$0x260] =	vst v3  }
0x2b: {  	v57 =	vld [tilespmem:$0x10];
	v4 =	vshll.u32 v48, $0x1;
	v1 =	vor.u32 $0x1, v1;
	[tilespmem:$0x250] =	vst v60  }
0x2c: {  	s13 =	simm.s32 $0x80;
	s17 =	simm.s32 $0x200;
	v58 =	vld [tilespmem:$0x0];
	v61 =	vshll.u32 v56, $0x1;
	v4 =	vor.u32 $0x1, v4;
	[tilespmem:$0x2C0] =	vst v1  }
0x2d: {  	s14 =	simm.s32 $0x400;
	s19 =	simm.s32 $0x280;
	s7 =	ssub.s32 $0x2, s7;
	v0 =	vshll.u32 v49, $0x1;
	v2 =	vor.u32 $0x1, v61;
	[tilespmem:$0x280] =	vst v4  }
0x2e: {  	s15 =	simm.s32 $0x4400;
	s20 =	simm.s32 $0x300;
	s9 =	sshrl.u32 s7, $0x1;
	v59 =	vshll.u32 v54, $0x1;
	v0 =	vor.u32 $0x1, v0;
	[tilespmem:$0x220] =	vst v2  }
0x2f: {  	s11 =	simm.s32 $0x8400;
	s23 =	simm.s32 $0x380;
	s10 =	ssub.s32 s7, s9;
	v1 =	vshll.u32 v55, $0x1;
	[tilespmem:$0x270] =	vst v0;
	v0 =	vor.u32 $0x1, v59  }
0x30: {  	s12 =	simm.s32 $0xC400;
	s22 =	simm.s32 $0x1;
	s24 =	smax.u32 s10, $0x1;
	v62 =	vshll.u32 v57, $0x1;
	v1 =	vor.u32 $0x1, v1;
	[tilespmem:$0x240] =	vst v0  }
0x31: {  	s21 =	simm.s32 $0x2;
	s8 =	sshll.u32 s8, $0xD;
	p0 =	sne.s32 s24, $0x1;
	v63 =	vshll.u32 v58, $0x1;
	[tilespmem:$0x230] =	vst v1;
	v0 =	vor.u32 $0x1, v62  }
.Ltmp0:
0x32: {  	s18 =	simm.s32 $0x3;
	s8 =	sadd.s32 s6, s8;
	v1 =	vor.u32 $0x1, v63;
	[tilespmem:$0x210] =	vst v0;
	(pc) =	sbr.rel @!p0 .LBB2_2-.Ltmp0, $4  }
0x33: {  	s16 =	simm.s32 $0x4;
	s9 =	sadd.s32 $0x800, s8;
	s6 =	sadd.s32 $0x1000, s8;
	[tilespmem:$0x200] =	vst v1  }
0x34: {  	[tilespmem:s14], [sflag:$0x1] =	stream.indirect.gather [hbm4b:s3+s13], $0x80, s17, s13, $0xb8;
	[tilespmem:$0x10400] =	vst v63  }
0x35: {  	s7 =	sadd.s32 $0x1800, s8;
	s10 =	simm.s32 $0x5;
	s24 =	sadd.s32 $0xFFFFFFFF, s24  }
0x36: {  	[tilespmem:s15], [sflag:$0x2] =	stream.indirect.gather [hbm4b:s3+s13], $0x80, s19, s13, $0xb8;
	[tilespmem:$0x10400] =	vst v63  }
.LBB2_1:
0x37: {  	p0 =	sne.s32 s24, $0x1;
	s24 =	sadd.s32 $0xFFFFFFFF, s24  }
0x38: {  	[tilespmem:s11], [sflag:$0x3] =	stream.indirect.gather [hbm4b:s3+s13], $0x80, s20, s13, $0xb8;
	[tilespmem:$0x10400] =	vst v63  }
0x39: {  	_ = 	snop  }
0x3a: {  	[tilespmem:s12], [sflag:$0x4] =	stream.indirect.gather [hbm4b:s3+s13], $0x80, s23, s13, $0xb8;
	[tilespmem:$0x10400] =	vst v63  }
0x3b: {  	_ =	swait.ge [sflag:s22], $0x4000  }
0x3c: {  	[sflag:s22] =	ssyncset.done $0x0  }
0x3d: {  	[sflag:s22] =	ssyncadd.s32 $0xFFFFC000  }
0x3e: {  	[hbm4b:s8+s2] =	stream.linear.scatter [tilespmem:s14], [sflag:$0x5], $0x4000, $0x38;
	[tilespmem:$0x10400] =	vst v63  }
0x3f: {  	_ =	swait.ge [sflag:s21], $0x4000  }
0x40: {  	[sflag:s21] =	ssyncset.done $0x0  }
0x41: {  	[sflag:s21] =	ssyncadd.s32 $0xFFFFC000  }
0x42: {  	[hbm4b:s9+s2] =	stream.linear.scatter [tilespmem:s15], [sflag:$0x5], $0x4000, $0x38;
	[tilespmem:$0x10400] =	vst v63  }
0x43: {  	_ =	swait.ge [sflag:s18], $0x4000  }
0x44: {  	[sflag:s18] =	ssyncset.done $0x0  }
0x45: {  	[sflag:s18] =	ssyncadd.s32 $0xFFFFC000  }
0x46: {  	[hbm4b:s6+s2] =	stream.linear.scatter [tilespmem:s11], [sflag:$0x5], $0x4000, $0x38;
	[tilespmem:$0x10400] =	vst v63  }
0x47: {  	_ =	swait.ge [sflag:s16], $0x4000  }
0x48: {  	[sflag:s16] =	ssyncset.done $0x0  }
0x49: {  	[sflag:s16] =	ssyncadd.s32 $0xFFFFC000  }
0x4a: {  	[hbm4b:s7+s2] =	stream.linear.scatter [tilespmem:s12], [sflag:$0x5], $0x4000, $0x38;
	[tilespmem:$0x10400] =	vst v63  }
0x4b: {  	_ =	swait.ge [sflag:s10], $0x4000  }
0x4c: {  	[sflag:s10] =	ssyncset.done $0x0  }
0x4d: {  	[sflag:s10] =	ssyncadd.s32 $0xFFFFC000  }
0x4e: {  	_ =	swait.ge [sflag:s10], $0x4000  }
0x4f: {  	[sflag:s10] =	ssyncset.done $0x0  }
0x50: {  	[sflag:s10] =	ssyncadd.s32 $0xFFFFC000  }
0x51: {  	_ =	swait.ge [sflag:s10], $0x4000  }
0x52: {  	[sflag:s10] =	ssyncset.done $0x0  }
0x53: {  	[sflag:s10] =	ssyncadd.s32 $0xFFFFC000  }
0x54: {  	_ =	swait.ge [sflag:s10], $0x4000  }
0x55: {  	[sflag:s10] =	ssyncset.done $0x0  }
0x56: {  	[sflag:s10] =	ssyncadd.s32 $0xFFFFC000  }
0x57: {  	[tilespmem:s2], [sflag:$0x6] =	stream.linear.gather [hbm4b:s4+s2], $0x200, $0x38;
	[tilespmem:$0x10400] =	vst v63  }
0x58: {  	_ =	swait.ge [sflag:s5], $0x200  }
0x59: {  	[sflag:s5] =	ssyncset.done $0x0  }
0x5a: {  	[sflag:s5] =	ssyncadd.s32 $0xFFFFFE00  }
0x5b: {  	v0 =	vld [tilespmem:$0x1F0]  }
0x5c: {  	v1 =	vld [tilespmem:$0xB0]  }
0x5d: {  	v2 =	vld [tilespmem:$0x1E0]  }
0x5e: {  	v3 =	vld [tilespmem:$0x1D0]  }
0x5f: {  	v4 =	vld [tilespmem:$0x1C0]  }
0x60: {  	v5 =	vld [tilespmem:$0x1A0];
	v0 =	vshll.u32 v0, $0x1  }
0x61: {  	v1 =	vshll.u32 v1, $0x1;
	v6 =	vld [tilespmem:$0x190];
	v0 =	vor.u32 $0x1, v0  }
0x62: {  	v1 =	vor.u32 $0x1, v1;
	v7 =	vld [tilespmem:$0x180];
	v2 =	vshll.u32 v2, $0x1;
	[tilespmem:$0x3F0] =	vst v0  }
0x63: {  	[tilespmem:$0x2B0] =	vst v1;
	v0 =	vld [tilespmem:$0x170];
	v1 =	vshll.u32 v3, $0x1;
	v2 =	vor.u32 $0x1, v2  }
0x64: {  	v3 =	vld [tilespmem:$0x160];
	v4 =	vshll.u32 v4, $0x1;
	v1 =	vor.u32 $0x1, v1;
	[tilespmem:$0x3E0] =	vst v2  }
0x65: {  	v2 =	vld [tilespmem:$0x150];
	v5 =	vshll.u32 v5, $0x1;
	v4 =	vor.u32 $0x1, v4;
	[tilespmem:$0x3D0] =	vst v1  }
0x66: {  	v1 =	vld [tilespmem:$0x140];
	v6 =	vshll.u32 v6, $0x1;
	v5 =	vor.u32 $0x1, v5;
	[tilespmem:$0x3C0] =	vst v4  }
0x67: {  	v4 =	vld [tilespmem:$0x130];
	v7 =	vshll.u32 v7, $0x1;
	v6 =	vor.u32 $0x1, v6;
	[tilespmem:$0x3A0] =	vst v5  }
0x68: {  	v5 =	vld [tilespmem:$0x120];
	v0 =	vshll.u32 v0, $0x1;
	v7 =	vor.u32 $0x1, v7;
	[tilespmem:$0x390] =	vst v6  }
0x69: {  	v6 =	vld [tilespmem:$0x110];
	v3 =	vshll.u32 v3, $0x1;
	v0 =	vor.u32 $0x1, v0;
	[tilespmem:$0x380] =	vst v7  }
0x6a: {  	v7 =	vld [tilespmem:$0x100];
	v2 =	vshll.u32 v2, $0x1;
	v3 =	vor.u32 $0x1, v3;
	[tilespmem:$0x370] =	vst v0  }
0x6b: {  	v0 =	vld [tilespmem:$0xF0];
	v1 =	vshll.u32 v1, $0x1;
	v2 =	vor.u32 $0x1, v2;
	[tilespmem:$0x360] =	vst v3  }
0x6c: {  	v3 =	vld [tilespmem:$0xE0];
	v4 =	vshll.u32 v4, $0x1;
	v1 =	vor.u32 $0x1, v1;
	[tilespmem:$0x350] =	vst v2  }
0x6d: {  	v2 =	vld [tilespmem:$0xD0];
	v5 =	vshll.u32 v5, $0x1;
	v4 =	vor.u32 $0x1, v4;
	[tilespmem:$0x340] =	vst v1  }
0x6e: {  	v1 =	vld [tilespmem:$0xC0];
	v6 =	vshll.u32 v6, $0x1;
	v5 =	vor.u32 $0x1, v5;
	[tilespmem:$0x330] =	vst v4  }
0x6f: {  	v4 =	vshll.u32 v7, $0x1;
	v6 =	vor.u32 $0x1, v6;
	[tilespmem:$0x320] =	vst v5;
	v5 =	vld [tilespmem:$0x1B0]  }
0x70: {  	v7 =	vld [tilespmem:$0xA0];
	v0 =	vshll.u32 v0, $0x1;
	v4 =	vor.u32 $0x1, v4;
	[tilespmem:$0x310] =	vst v6  }
0x71: {  	v6 =	vld [tilespmem:$0x90];
	v3 =	vshll.u32 v3, $0x1;
	v0 =	vor.u32 $0x1, v0;
	[tilespmem:$0x300] =	vst v4  }
0x72: {  	v4 =	vld [tilespmem:$0x80];
	v2 =	vshll.u32 v2, $0x1;
	v3 =	vor.u32 $0x1, v3;
	[tilespmem:$0x2F0] =	vst v0  }
0x73: {  	v0 =	vld [tilespmem:$0x70];
	v1 =	vshll.u32 v1, $0x1;
	v2 =	vor.u32 $0x1, v2;
	[tilespmem:$0x2E0] =	vst v3  }
0x74: {  	v3 =	vld [tilespmem:$0x60];
	v1 =	vor.u32 $0x1, v1;
	[tilespmem:$0x2D0] =	vst v2;
	v2 =	vshll.u32 v5, $0x1  }
0x75: {  	v5 =	vld [tilespmem:$0x50];
	v7 =	vshll.u32 v7, $0x1;
	[tilespmem:$0x2C0] =	vst v1;
	v1 =	vor.u32 $0x1, v2  }
0x76: {  	v2 =	vld [tilespmem:$0x40];
	v6 =	vshll.u32 v6, $0x1;
	v7 =	vor.u32 $0x1, v7;
	[tilespmem:$0x3B0] =	vst v1  }
0x77: {  	v1 =	vld [tilespmem:$0x30];
	v4 =	vshll.u32 v4, $0x1;
	v6 =	vor.u32 $0x1, v6;
	[tilespmem:$0x2A0] =	vst v7  }
0x78: {  	v7 =	vld [tilespmem:$0x20];
	v0 =	vshll.u32 v0, $0x1;
	v4 =	vor.u32 $0x1, v4;
	[tilespmem:$0x290] =	vst v6  }
0x79: {  	v6 =	vld [tilespmem:$0x10];
	v3 =	vshll.u32 v3, $0x1;
	v0 =	vor.u32 $0x1, v0;
	[tilespmem:$0x280] =	vst v4  }
0x7a: {  	v4 =	vld [tilespmem:$0x0];
	v5 =	vshll.u32 v5, $0x1;
	v3 =	vor.u32 $0x1, v3;
	[tilespmem:$0x270] =	vst v0  }
0x7b: {  	v0 =	vshll.u32 v2, $0x1;
	v2 =	vor.u32 $0x1, v5;
	[tilespmem:$0x260] =	vst v3  }
0x7c: {  	v1 =	vshll.u32 v1, $0x1;
	v0 =	vor.u32 $0x1, v0;
	[tilespmem:$0x250] =	vst v2  }
0x7d: {  	v2 =	vshll.u32 v7, $0x1;
	v1 =	vor.u32 $0x1, v1;
	[tilespmem:$0x240] =	vst v0  }
0x7e: {  	v0 =	vshll.u32 v6, $0x1;
	v2 =	vor.u32 $0x1, v2;
	[tilespmem:$0x230] =	vst v1  }
0x7f: {  	v1 =	vshll.u32 v4, $0x1;
	v0 =	vor.u32 $0x1, v0;
	[tilespmem:$0x220] =	vst v2  }
.Ltmp1:
0x80: {  	v1 =	vor.u32 $0x1, v1;
	[tilespmem:$0x210] =	vst v0;
	(pc) =	sbr.rel @p0 .LBB2_1-.Ltmp1, $4  }
0x81: {  	[tilespmem:$0x200] =	vst v1  }
0x82: {  	[tilespmem:s14], [sflag:$0x1] =	stream.indirect.gather [hbm4b:s3+s13], $0x80, s17, s13, $0xb8;
	[tilespmem:$0x10400] =	vst v63  }
0x83: {  	_ = 	snop  }
0x84: {  	[tilespmem:s15], [sflag:$0x2] =	stream.indirect.gather [hbm4b:s3+s13], $0x80, s19, s13, $0xb8;
	[tilespmem:$0x10400] =	vst v63  }
.LBB2_2:
0x85: {  	[tilespmem:s11], [sflag:$0x3] =	stream.indirect.gather [hbm4b:s3+s13], $0x80, s20, s13, $0xb8;
	[tilespmem:$0x10400] =	vst v63  }
0x86: {  	_ = 	snop  }
0x87: {  	[tilespmem:s12], [sflag:$0x4] =	stream.indirect.gather [hbm4b:s3+s13], $0x80, s23, s13, $0xb8;
	[tilespmem:$0x10400] =	vst v63  }
0x88: {  	_ =	swait.ge [sflag:s22], $0x4000  }
0x89: {  	[sflag:s22] =	ssyncset.done $0x0  }
0x8a: {  	[sflag:s22] =	ssyncadd.s32 $0xFFFFC000  }
0x8b: {  	[hbm4b:s8+s2] =	stream.linear.scatter [tilespmem:s14], [sflag:$0x5], $0x4000, $0x38;
	[tilespmem:$0x10400] =	vst v63  }
0x8c: {  	_ =	swait.ge [sflag:s21], $0x4000  }
0x8d: {  	[sflag:s21] =	ssyncset.done $0x0  }
0x8e: {  	[sflag:s21] =	ssyncadd.s32 $0xFFFFC000  }
0x8f: {  	[hbm4b:s9+s2] =	stream.linear.scatter [tilespmem:s15], [sflag:$0x5], $0x4000, $0x38;
	[tilespmem:$0x10400] =	vst v63  }
0x90: {  	_ =	swait.ge [sflag:s18], $0x4000  }
0x91: {  	[sflag:s18] =	ssyncset.done $0x0  }
0x92: {  	[sflag:s18] =	ssyncadd.s32 $0xFFFFC000  }
0x93: {  	[hbm4b:s6+s2] =	stream.linear.scatter [tilespmem:s11], [sflag:$0x5], $0x4000, $0x38;
	[tilespmem:$0x10400] =	vst v63  }
0x94: {  	_ =	swait.ge [sflag:s16], $0x4000  }
0x95: {  	[sflag:s16] =	ssyncset.done $0x0  }
0x96: {  	[sflag:s16] =	ssyncadd.s32 $0xFFFFC000  }
0x97: {  	[hbm4b:s7+s2] =	stream.linear.scatter [tilespmem:s12], [sflag:$0x5], $0x4000, $0x38;
	[tilespmem:$0x10400] =	vst v63  }
0x98: {  	_ =	swait.ge [sflag:s10], $0x4000  }
0x99: {  	[sflag:s10] =	ssyncset.done $0x0  }
0x9a: {  	[sflag:s10] =	ssyncadd.s32 $0xFFFFC000  }
0x9b: {  	_ =	swait.ge [sflag:s10], $0x4000  }
0x9c: {  	[sflag:s10] =	ssyncset.done $0x0  }
0x9d: {  	[sflag:s10] =	ssyncadd.s32 $0xFFFFC000  }
0x9e: {  	_ =	swait.ge [sflag:s10], $0x4000  }
0x9f: {  	[sflag:s10] =	ssyncset.done $0x0  }
0xa0: {  	[sflag:s10] =	ssyncadd.s32 $0xFFFFC000  }
0xa1: {  	_ =	swait.ge [sflag:s10], $0x4000  }
0xa2: {  	[sflag:s10] =	ssyncset.done $0x0  }
0xa3: {  	[sflag:s10] =	ssyncadd.s32 $0xFFFFC000  }
0xa4: {  	_ =	sfence.sel $0x180000  }
0xa5: {  	[bflag:$0x0] =	sbarrier.arrive $0xFFFF  }
0xa6: {  	p0 =	sne.s32 s0, $0x0;
	_ =	strace $0x90000047  }
0xa7: {  	s0 =	sadd.s32 @!p0 $0x100000, s1;
	[bflag:$0x2] =	sbarrier.arrive $0xFFFF  }
0xa8: {  	[sflag:s0] =	ssyncadd.tile.s32 @!p0 $0x1;
	_ =	shalt  }
.Lfunc_end2:
_tile_overlayer_lowered:
.L_overlay_start_2:
0xa9: {  	(tag) =	ssettag $0x2  }
0xaa: {  	s0 =	rddreg [dreg:$0x0];
	s2 =	stileid.u32  }
0xab: {  	s1 =	rddreg [dreg:$0x1];
	p0 =	sne.s32 s2, $0x0  }
0xac: {  	s3 =	rddreg [dreg:$0x2];
	[bflag:$0x3] =	sbarrier.arrive $0xFFFF;
	s2 =	simm.s32 @!p0 $0x1C06  }
0xad: {  	[timem:s3], [sflag:s2] =	dma.local @!p0 [hbm:s0], s1  }
0xae: {  	s0 =	simm.s32 @!p0 $0x6  }
0xaf: {  	_ =	swait.ge @!p0 [sflag:s0], s1  }
0xb0: {  	s1 =	ssub.s32 @!p0 $0x0, s1;
	[sflag:s0] =	ssyncset.done @!p0 $0x0  }
0xb1: {  	[sflag:s0] =	ssyncadd.s32 @!p0 s1  }
0xb2: {  	[bflag:$0x3] =	sbarrier.arrive $0xFFFF  }
0xb3: {  	_ =	shalt  }

</sc_bundles>
